<compile_context>
chip_gen: v7x
topology: tpu7x:2x2x1
jax: 0.10.2.dev20260603
libtpu: 0.0.44.dev20260713+nightly
codegen_flags: <defaults>
</compile_context>

<pallas_src>
import functools

import jax
import jax.numpy as jnp
from jax import lax
from jax.experimental import pallas as pl
from jax.experimental.pallas import tpu as pltpu
from jax.experimental.pallas import tpu_sc as plsc

N = 10000
E = 320000
D_NODE = 128
D_EDGE = 16
D_EOUT = 16

LANES = 128
NPAD = 10240
ROWS = E // LANES
ROWS_PAD = 2560
EPAD = ROWS_PAD * LANES
PAD_SLOT = NPAD - 1

BLK_A = 20480
GRID_A = EPAD // BLK_A


_REAL_LAST = E - (GRID_A - 1) * BLK_A


def _pre_body(elT_ref, wa1T_ref, h_ref, wa2_ref, ei_ref, eaw_ref, hw_ref,
              src_ref):
    i = pl.program_id(0)
    eaw_ref[...] = jnp.dot(wa1T_ref[...], elT_ref[...],
                           preferred_element_type=jnp.float32)
    src_ref[...] = ei_ref[0:1, :]

    @pl.when(i == GRID_A - 1)
    def _():
        src_ref[:, pl.ds(_REAL_LAST, BLK_A - _REAL_LAST)] = jnp.full(
            (1, BLK_A - _REAL_LAST), PAD_SLOT, jnp.int32)

    @pl.when(i == 0)
    def _():
        hw = jnp.dot(h_ref[...], wa2_ref[...],
                     preferred_element_type=jnp.float32)
        hw_ref[pl.ds(0, N), :] = hw
        hw_ref[pl.ds(N, NPAD - N), :] = jnp.zeros((NPAD - N, 1), jnp.float32)


def _pre(elT, wa1, h, wa2, ei):
    return pl.pallas_call(
        _pre_body,
        grid=(GRID_A,),
        in_specs=[
            pl.BlockSpec((D_EDGE, BLK_A), lambda i: (0, i)),
            pl.BlockSpec((1, D_EDGE), lambda i: (0, 0)),
            pl.BlockSpec((N, D_NODE), lambda i: (0, 0)),
            pl.BlockSpec((D_NODE, 1), lambda i: (0, 0)),
            pl.BlockSpec((2, BLK_A), lambda i: (0, i)),
        ],
        out_specs=[
            pl.BlockSpec((1, BLK_A), lambda i: (0, i)),
            pl.BlockSpec((NPAD, 1), lambda i: (0, 0)),
            pl.BlockSpec((1, BLK_A), lambda i: (0, i)),
        ],
        out_shape=[
            jax.ShapeDtypeStruct((1, EPAD), jnp.float32),
            jax.ShapeDtypeStruct((NPAD, 1), jnp.float32),
            jax.ShapeDtypeStruct((1, EPAD), jnp.int32),
        ],
    )(elT, wa1, h, wa2, ei)


_R_SC = ROWS_PAD // 16
_R_OUT = _R_SC // 2


_WIN = 8


def _sc_body(src_hbm, eaw_hbm, hw_hbm, gamma_hbm,
             src_v, ex_v, hw_v, den_v, zb_v, shden, sem):
    c = lax.axis_index("c")
    s = lax.axis_index("s")
    r0 = s * _R_SC
    with jax.named_scope("sc_stage"):
        pltpu.sync_copy(src_hbm.at[pl.ds(r0, _R_SC)], src_v)
        pltpu.sync_copy(eaw_hbm.at[pl.ds(r0, _R_SC)], ex_v)
        pltpu.sync_copy(hw_hbm, hw_v)

    with jax.named_scope("sc_zero"):
        def zero_step(j, _):
            zb_v[pl.ds(j * 16, 16)] = jnp.zeros((16,), jnp.float32)
            return 0
        lax.fori_loop(0, 40, zero_step, 0)
        pltpu.sync_copy(zb_v, shden.at[pl.ds(s * 640, 640)])
        plsc.subcore_barrier()

    with jax.named_scope("sc_compute"):
        def row_step(r, _):
            for j in range(8):
                idx = src_v[r, pl.ds(j * 16, 16)]
                a = ex_v[r, pl.ds(j * 16, 16)]
                e = a + plsc.load_gather(hw_v, [idx])
                e = jnp.where(e >= 0.0, e, e * 0.01)
                ex_v[r, pl.ds(j * 16, 16)] = jnp.exp(e)
            pltpu.make_async_copy(ex_v.at[r], shden.at[src_v.at[r]],
                                  sem).start(add=True)

            @pl.when(r >= _WIN)
            def _():
                pltpu.make_async_copy(ex_v.at[0], shden.at[src_v.at[0]],
                                      sem).wait()
            return 0
        lax.fori_loop(0, _R_SC, row_step, 0)

    with jax.named_scope("sc_drain"):
        def drain_step(r, _):
            pltpu.make_async_copy(ex_v.at[0], shden.at[src_v.at[0]],
                                  sem).wait()
            return 0
        lax.fori_loop(0, _WIN, drain_step, 0)
        plsc.subcore_barrier()

    with jax.named_scope("sc_dencopy"):
        pltpu.sync_copy(shden, den_v)

    with jax.named_scope("sc_gamma"):
        def out_step(r, _):
            rl = c * _R_OUT + r
            for j in range(8):
                idx = src_v[rl, pl.ds(j * 16, 16)]
                exv = ex_v[rl, pl.ds(j * 16, 16)]
                d = plsc.load_gather(den_v, [idx])
                ex_v[rl, pl.ds(j * 16, 16)] = exv / jnp.maximum(d, 1e-9)
            return 0
        lax.fori_loop(0, _R_OUT, out_step, 0)

    with jax.named_scope("sc_out"):
        pltpu.sync_copy(ex_v.at[pl.ds(c * _R_OUT, _R_OUT)],
                        gamma_hbm.at[pl.ds(r0 + c * _R_OUT, _R_OUT)])


def _sc_softmax(src2, eaw2, hw1):
    f = pl.kernel(
        _sc_body,
        out_type=jax.ShapeDtypeStruct((ROWS_PAD, LANES), jnp.float32),
        mesh=plsc.VectorSubcoreMesh(core_axis_name="c", subcore_axis_name="s"),
        compiler_params=pltpu.CompilerParams(needs_layout_passes=False),
        scratch_types=[
            pltpu.VMEM((_R_SC, LANES), jnp.int32),
            pltpu.VMEM((_R_SC, LANES), jnp.float32),
            pltpu.VMEM((NPAD,), jnp.float32),
            pltpu.VMEM((NPAD,), jnp.float32),
            pltpu.VMEM((640,), jnp.float32),
            pltpu.VMEM_SHARED((NPAD,), jnp.float32),
            pltpu.SemaphoreType.DMA,
        ],
    )
    return f(src2, eaw2, hw1)


BLK_C = 20480
GRID_C = EPAD // BLK_C


def _scale_body(elT_ref, wfcT_ref, g_ref, out_ref):
    ew = jnp.dot(wfcT_ref[...], elT_ref[...], preferred_element_type=jnp.float32)
    out_ref[...] = ew * g_ref[...][None, :]


def _scale(elT, wfcT, gamma):
    return pl.pallas_call(
        _scale_body,
        grid=(GRID_C,),
        in_specs=[
            pl.BlockSpec((D_EDGE, BLK_C), lambda i: (0, i)),
            pl.BlockSpec((D_EOUT, D_EDGE), lambda i: (0, 0)),
            pl.BlockSpec((BLK_C,), lambda i: (i,)),
        ],
        out_specs=pl.BlockSpec((D_EOUT, BLK_C), lambda i: (0, i)),
        out_shape=jax.ShapeDtypeStruct((D_EOUT, E), jnp.float32),
    )(elT, wfcT, gamma)


@jax.jit
def kernel(h, edge_index, edge_labels, W_fc, W_attn):
    wa1 = W_attn[:D_EDGE]
    wa2 = W_attn[D_EDGE:]
    elT = edge_labels.T
    eaw, hw, src_pad = _pre(elT, wa1.T, h, wa2, edge_index)
    gamma = _sc_softmax(src_pad.reshape(ROWS_PAD, LANES),
                        eaw.reshape(ROWS_PAD, LANES), hw.reshape(NPAD))
    ewT = _scale(elT, W_fc.T, gamma.reshape(EPAD))
    return h, ewT.T

# --- scband reference (transcript-rebuilt; emitter-appended) ---
"""Pipeline reference for scband-weighted-agg-edge-38611755991048 (READ-ONLY COPY).

The authoritative reference and input builder live on the scoring server;
editing this copy changes nothing except your own understanding.
"""

import jax, jax.numpy as jnp
import numpy as np

N = 10000
E = 320000
D_NODE = 128
D_EDGE = 16
D_EOUT = 16


def setup_inputs(seed: int = 0) -> dict:
    key = jax.random.key(seed)
    k1, k2, k3, k4, k5 = jax.random.split(key, 5)
    h = jax.random.normal(k1, (N, D_NODE), dtype=jnp.float32)
    edge_index = jax.random.randint(k2, (2, E), 0, N, dtype=jnp.int32)
    edge_labels = jax.random.normal(k3, (E, D_EDGE), dtype=jnp.float32)
    # learned params: fc (edge_lbl_dim -> edge_ft_out_dim, no bias) and e_attn_fc (node_dim+edge_ft_out_dim -> 1, no bias)
    W_fc = jax.random.normal(k4, (D_EDGE, D_EOUT), dtype=jnp.float32) * (1.0 / np.sqrt(D_EDGE))
    W_attn = jax.random.normal(k5, (D_NODE + D_EOUT, 1), dtype=jnp.float32) * (1.0 / np.sqrt(D_NODE + D_EOUT))
    return {"h": h, "edge_index": edge_index, "edge_labels": edge_labels, "W_fc": W_fc, "W_attn": W_attn}


def reference(h, edge_index, edge_labels, W_fc, W_attn):
    # e_weighted = fc(edge_labels)
    e_weighted = edge_labels @ W_fc  # [E, D_EOUT]
    src = edge_index[0]
    # group_apply_edges(group_by='src'): per-edge attention score from [e_ft, src_ft]
    src_ft = jnp.take(h, src, axis=0)  # gather [E, D_NODE]
    z2 = jnp.concatenate([edge_labels, src_ft], axis=1)  # [E, D_EDGE + D_NODE]  (attn input dim = node_dim + edge_ft_out_dim = 144)
    a = z2 @ W_attn  # [E, 1]
    e = jax.nn.leaky_relu(a, negative_slope=0.01)[:, 0]  # [E]
    # softmax over edges grouped by src node (segment softmax)
    m = jax.ops.segment_max(e, src, num_segments=N)  # [N]
    m = jnp.where(jnp.isfinite(m), m, 0.0)
    ex = jnp.exp(e - jnp.take(m, src))
    denom = jax.ops.segment_sum(ex, src, num_segments=N)  # [N]
    gamma = ex / jnp.maximum(jnp.take(denom, src), 1e-9)  # [E]
    e_weighted = gamma[:, None] * e_weighted  # [E, D_EOUT]
    # forward returns g.ndata.pop('node_feat'); we also return e_weighted (the module's side-effect output on g.edata)
    return h, e_weighted

if __name__ == "__main__":
    import jax
    _d = setup_inputs()
    print(jax.jit(kernel)(*tuple(_d.values())))

</pallas_src>

<mosaic_0001>
#map = affine_map<(d0, d1) -> (0, 0)>
#map1 = affine_map<(d0, d1) -> (0)>
module attributes {stable_mosaic.version = 14 : i64} {
  func.func @_sc_body(%arg0: i32, %arg1: i32, %arg2: memref<2560x128xi32, #tpu.memory_space<hbm>>, %arg3: memref<2560x128xf32, #tpu.memory_space<hbm>>, %arg4: memref<10240xf32, #tpu.memory_space<hbm>>, %arg5: memref<2560x128xf32, #tpu.memory_space<hbm>>, %arg6: memref<160x128xi32, #tpu.memory_space<vmem>>, %arg7: memref<160x128xf32, #tpu.memory_space<vmem>>, %arg8: memref<10240xf32, #tpu.memory_space<vmem>>, %arg9: memref<10240xf32, #tpu.memory_space<vmem>>, %arg10: memref<640xf32, #tpu.memory_space<vmem>>, %arg11: memref<10240xf32, #tpu.memory_space<vmem_shared>>, %arg12: memref<!tpu.dma_semaphore, #tpu.memory_space<semaphore_mem>>) attributes {dimension_semantics = [#tpu.dimension_semantics<core_parallel>, #tpu.dimension_semantics<subcore_parallel>], iteration_bounds = array<i64: 2, 16>, scalar_prefetch = 0 : i64, scratch_operands = 7 : i64, tpu.core_type = #tpu.core_type<sc_vector_subcore>, window_params = [{transform_indices = #map}, {transform_indices = #map}, {transform_indices = #map1}, {transform_indices = #map}]} {
    %mul3A = arith.constant 160 : i32
    %mul3A_0 = arith.muli %arg1, %mul3A : i32
    "tpu.trace_start"() <{level = 10 : i32, message = "sc_stage"}> : () -> ()
    "tpu.region"() ({
      %run_scoped3A = tpu.sem_alloc : memref<!tpu.dma_semaphore, #tpu.memory_space<semaphore_mem>>
      %dma_start3A = arith.constant 0 : i32
      %dma_start3A_35 = tpu.memref_slice %arg2[%mul3A_0, %dma_start3A] : memref<2560x128xi32, #tpu.memory_space<hbm>> -> memref<160x128xi32, #tpu.memory_space<hbm>>
      %dma_start3A_36 = arith.constant 0 : i32
      %dma_start3A_37 = tpu.memref_slice %arg2[%mul3A_0, %dma_start3A_36] : memref<2560x128xi32, #tpu.memory_space<hbm>> -> memref<160x128xi32, #tpu.memory_space<hbm>>
      tpu.enqueue_dma source(%dma_start3A_37 : memref<160x128xi32, #tpu.memory_space<hbm>>) target(%arg6 : memref<160x128xi32, #tpu.memory_space<vmem>>) target_semaphore(%run_scoped3A : memref<!tpu.dma_semaphore, #tpu.memory_space<semaphore_mem>>)
      %dma_wait3A = arith.constant 0 : i32
      %dma_wait3A_38 = tpu.memref_slice %arg2[%mul3A_0, %dma_wait3A] : memref<2560x128xi32, #tpu.memory_space<hbm>> -> memref<160x128xi32, #tpu.memory_space<hbm>>
      %dma_wait3A_39 = arith.constant 0 : i32
      %dma_wait3A_40 = tpu.memref_slice %arg2[%mul3A_0, %dma_wait3A_39] : memref<2560x128xi32, #tpu.memory_space<hbm>> -> memref<160x128xi32, #tpu.memory_space<hbm>>
      tpu.wait_dma2 semaphore(%run_scoped3A : memref<!tpu.dma_semaphore, #tpu.memory_space<semaphore_mem>>) src(%dma_wait3A_40 : memref<160x128xi32, #tpu.memory_space<hbm>>) dst(%arg6 : memref<160x128xi32, #tpu.memory_space<vmem>>)
      tpu.yield
    }) : () -> ()
    "tpu.region"() ({
      %run_scoped3A = tpu.sem_alloc : memref<!tpu.dma_semaphore, #tpu.memory_space<semaphore_mem>>
      %dma_start3A = arith.constant 0 : i32
      %dma_start3A_35 = tpu.memref_slice %arg3[%mul3A_0, %dma_start3A] : memref<2560x128xf32, #tpu.memory_space<hbm>> -> memref<160x128xf32, #tpu.memory_space<hbm>>
      %dma_start3A_36 = arith.constant 0 : i32
      %dma_start3A_37 = tpu.memref_slice %arg3[%mul3A_0, %dma_start3A_36] : memref<2560x128xf32, #tpu.memory_space<hbm>> -> memref<160x128xf32, #tpu.memory_space<hbm>>
      tpu.enqueue_dma source(%dma_start3A_37 : memref<160x128xf32, #tpu.memory_space<hbm>>) target(%arg7 : memref<160x128xf32, #tpu.memory_space<vmem>>) target_semaphore(%run_scoped3A : memref<!tpu.dma_semaphore, #tpu.memory_space<semaphore_mem>>)
      %dma_wait3A = arith.constant 0 : i32
      %dma_wait3A_38 = tpu.memref_slice %arg3[%mul3A_0, %dma_wait3A] : memref<2560x128xf32, #tpu.memory_space<hbm>> -> memref<160x128xf32, #tpu.memory_space<hbm>>
      %dma_wait3A_39 = arith.constant 0 : i32
      %dma_wait3A_40 = tpu.memref_slice %arg3[%mul3A_0, %dma_wait3A_39] : memref<2560x128xf32, #tpu.memory_space<hbm>> -> memref<160x128xf32, #tpu.memory_space<hbm>>
      tpu.wait_dma2 semaphore(%run_scoped3A : memref<!tpu.dma_semaphore, #tpu.memory_space<semaphore_mem>>) src(%dma_wait3A_40 : memref<160x128xf32, #tpu.memory_space<hbm>>) dst(%arg7 : memref<160x128xf32, #tpu.memory_space<vmem>>)
      tpu.yield
    }) : () -> ()
    "tpu.region"() ({
      %run_scoped3A = tpu.sem_alloc : memref<!tpu.dma_semaphore, #tpu.memory_space<semaphore_mem>>
      tpu.enqueue_dma source(%arg4 : memref<10240xf32, #tpu.memory_space<hbm>>) target(%arg8 : memref<10240xf32, #tpu.memory_space<vmem>>) target_semaphore(%run_scoped3A : memref<!tpu.dma_semaphore, #tpu.memory_space<semaphore_mem>>)
      tpu.wait_dma2 semaphore(%run_scoped3A : memref<!tpu.dma_semaphore, #tpu.memory_space<semaphore_mem>>) src(%arg4 : memref<10240xf32, #tpu.memory_space<hbm>>) dst(%arg8 : memref<10240xf32, #tpu.memory_space<vmem>>)
      tpu.yield
    }) : () -> ()
    "tpu.trace_stop"() : () -> ()
    "tpu.trace_start"() <{level = 10 : i32, message = "sc_zero"}> : () -> ()
    %scan3A = arith.constant 0 : i32
    %scan3A_1 = arith.constant 0 : i32
    %scan3A_2 = arith.constant 40 : i32
    %scan3A_3 = arith.addi %scan3A_1, %scan3A_2 : i32
    %scan3A_4 = arith.constant 1 : i32
    %scan3A_5 = scf.for %scan3A_35 = %scan3A_1 to %scan3A_3 step %scan3A_4 iter_args(%scan3A_36 = %scan3A) -> (i32)  : i32 {
      %broadcast_in_dim3A = arith.constant 0.000000e+00 : f32
      %broadcast_in_dim3A_37 = vector.broadcast %broadcast_in_dim3A : f32 to vector<16xf32>
      %mul3A_38 = arith.constant 16 : i32
      %mul3A_39 = arith.muli %scan3A_35, %mul3A_38 : i32
      %swap3A = arith.index_cast %mul3A_39 : i32 to index
      %swap3A_40 = tpu.vector_load %arg10[%swap3A] {strides = array<i32>} : memref<640xf32, #tpu.memory_space<vmem>>, vector<16xf32>,
      tpu.vector_store %arg10[%swap3A], %broadcast_in_dim3A_37 {strides = array<i32>} : memref<640xf32, #tpu.memory_space<vmem>>, vector<16xf32>,
      %scan3A_41 = arith.constant 0 : i32
      scf.yield %scan3A_41 : i32
    }
    %scan3A_6 = arith.constant 40 : i32
    %mul3A_7 = arith.constant 640 : i32
    %mul3A_8 = arith.muli %arg1, %mul3A_7 : i32
    "tpu.region"() ({
      %run_scoped3A = tpu.sem_alloc : memref<!tpu.dma_semaphore, #tpu.memory_space<semaphore_mem>>
      %dma_start3A = tpu.memref_slice %arg11[%mul3A_8] : memref<10240xf32, #tpu.memory_space<vmem_shared>> -> memref<640xf32, #tpu.memory_space<vmem_shared>>
      %dma_start3A_35 = tpu.memref_slice %arg11[%mul3A_8] : memref<10240xf32, #tpu.memory_space<vmem_shared>> -> memref<640xf32, #tpu.memory_space<vmem_shared>>
      tpu.enqueue_dma source(%arg10 : memref<640xf32, #tpu.memory_space<vmem>>) target(%dma_start3A_35 : memref<640xf32, #tpu.memory_space<vmem_shared>>) target_semaphore(%run_scoped3A : memref<!tpu.dma_semaphore, #tpu.memory_space<semaphore_mem>>)
      %dma_wait3A = tpu.memref_slice %arg11[%mul3A_8] : memref<10240xf32, #tpu.memory_space<vmem_shared>> -> memref<640xf32, #tpu.memory_space<vmem_shared>>
      %dma_wait3A_36 = tpu.memref_slice %arg11[%mul3A_8] : memref<10240xf32, #tpu.memory_space<vmem_shared>> -> memref<640xf32, #tpu.memory_space<vmem_shared>>
      tpu.wait_dma2 semaphore(%run_scoped3A : memref<!tpu.dma_semaphore, #tpu.memory_space<semaphore_mem>>) src(%arg10 : memref<640xf32, #tpu.memory_space<vmem>>) dst(%dma_wait3A_36 : memref<640xf32, #tpu.memory_space<vmem_shared>>)
      tpu.yield
    }) : () -> ()
    %barrier3A = arith.constant 0 : index
    tpu.barrier barrier_id(%barrier3A)
    "tpu.trace_stop"() : () -> ()
    "tpu.trace_start"() <{level = 10 : i32, message = "sc_compute"}> : () -> ()
    %scan3A_9 = arith.constant 0 : i32
    %scan3A_10 = arith.constant 0 : i32
    %scan3A_11 = arith.constant 160 : i32
    %scan3A_12 = arith.addi %scan3A_10, %scan3A_11 : i32
    %scan3A_13 = arith.constant 1 : i32
    %scan3A_14 = scf.for %scan3A_35 = %scan3A_10 to %scan3A_12 step %scan3A_13 iter_args(%scan3A_36 = %scan3A_9) -> (i32)  : i32 {
      %get3A = arith.index_cast %scan3A_35 : i32 to index
      %get3A_37 = arith.constant 0 : index
      %get3A_38 = tpu.vector_load %arg6[%get3A, %get3A_37] {strides = array<i32>} : memref<160x128xi32, #tpu.memory_space<vmem>>, vector<16xi32>,
      %get3A_39 = arith.index_cast %scan3A_35 : i32 to index
      %get3A_40 = arith.constant 0 : index
      %get3A_41 = tpu.vector_load %arg7[%get3A_39, %get3A_40] {strides = array<i32>} : memref<160x128xf32, #tpu.memory_space<vmem>>, vector<16xf32>,
      %gather3A = tpu.vector_load_idx %arg8[%get3A_38] : memref<10240xf32, #tpu.memory_space<vmem>>[vector<16xi32>], vector<16xf32>,
      %add3A_42 = arith.addf %get3A_41, %gather3A : vector<16xf32>
      %ge3A = arith.constant 0.000000e+00 : f32
      %ge3A_43 = vector.broadcast %ge3A : f32 to vector<16xf32>
      %ge3A_44 = arith.cmpf oge, %add3A_42, %ge3A_43 : vector<16xf32>
      %mul3A_45 = arith.constant 0.00999999977 : f32
      %mul3A_46 = vector.broadcast %mul3A_45 : f32 to vector<16xf32>
      %mul3A_47 = arith.mulf %add3A_42, %mul3A_46 : vector<16xf32>
      %select_n3A = arith.select %ge3A_44, %add3A_42, %mul3A_47 : vector<16xi1>, vector<16xf32>
      %exp3A = math.exp %select_n3A : vector<16xf32>
      %swap3A = arith.index_cast %scan3A_35 : i32 to index
      %swap3A_48 = arith.constant 0 : index
      %swap3A_49 = tpu.vector_load %arg7[%swap3A, %swap3A_48] {strides = array<i32>} : memref<160x128xf32, #tpu.memory_space<vmem>>, vector<16xf32>,
      tpu.vector_store %arg7[%swap3A, %swap3A_48], %exp3A {strides = array<i32>} : memref<160x128xf32, #tpu.memory_space<vmem>>, vector<16xf32>,
      %get3A_50 = arith.index_cast %scan3A_35 : i32 to index
      %get3A_51 = arith.constant 16 : index
      %get3A_52 = tpu.vector_load %arg6[%get3A_50, %get3A_51] {strides = array<i32>} : memref<160x128xi32, #tpu.memory_space<vmem>>, vector<16xi32>,
      %get3A_53 = arith.index_cast %scan3A_35 : i32 to index
      %get3A_54 = arith.constant 16 : index
      %get3A_55 = tpu.vector_load %arg7[%get3A_53, %get3A_54] {strides = array<i32>} : memref<160x128xf32, #tpu.memory_space<vmem>>, vector<16xf32>,
      %gather3A_56 = tpu.vector_load_idx %arg8[%get3A_52] : memref<10240xf32, #tpu.memory_space<vmem>>[vector<16xi32>], vector<16xf32>,
      %add3A_57 = arith.addf %get3A_55, %gather3A_56 : vector<16xf32>
      %ge3A_58 = arith.constant 0.000000e+00 : f32
      %ge3A_59 = vector.broadcast %ge3A_58 : f32 to vector<16xf32>
      %ge3A_60 = arith.cmpf oge, %add3A_57, %ge3A_59 : vector<16xf32>
      %mul3A_61 = arith.constant 0.00999999977 : f32
      %mul3A_62 = vector.broadcast %mul3A_61 : f32 to vector<16xf32>
      %mul3A_63 = arith.mulf %add3A_57, %mul3A_62 : vector<16xf32>
      %select_n3A_64 = arith.select %ge3A_60, %add3A_57, %mul3A_63 : vector<16xi1>, vector<16xf32>
      %exp3A_65 = math.exp %select_n3A_64 : vector<16xf32>
      %swap3A_66 = arith.index_cast %scan3A_35 : i32 to index
      %swap3A_67 = arith.constant 16 : index
      %swap3A_68 = tpu.vector_load %arg7[%swap3A_66, %swap3A_67] {strides = array<i32>} : memref<160x128xf32, #tpu.memory_space<vmem>>, vector<16xf32>,
      tpu.vector_store %arg7[%swap3A_66, %swap3A_67], %exp3A_65 {strides = array<i32>} : memref<160x128xf32, #tpu.memory_space<vmem>>, vector<16xf32>,
      %get3A_69 = arith.index_cast %scan3A_35 : i32 to index
      %get3A_70 = arith.constant 32 : index
      %get3A_71 = tpu.vector_load %arg6[%get3A_69, %get3A_70] {strides = array<i32>} : memref<160x128xi32, #tpu.memory_space<vmem>>, vector<16xi32>,
      %get3A_72 = arith.index_cast %scan3A_35 : i32 to index
      %get3A_73 = arith.constant 32 : index
      %get3A_74 = tpu.vector_load %arg7[%get3A_72, %get3A_73] {strides = array<i32>} : memref<160x128xf32, #tpu.memory_space<vmem>>, vector<16xf32>,
      %gather3A_75 = tpu.vector_load_idx %arg8[%get3A_71] : memref<10240xf32, #tpu.memory_space<vmem>>[vector<16xi32>], vector<16xf32>,
      %add3A_76 = arith.addf %get3A_74, %gather3A_75 : vector<16xf32>
      %ge3A_77 = arith.constant 0.000000e+00 : f32
      %ge3A_78 = vector.broadcast %ge3A_77 : f32 to vector<16xf32>
      %ge3A_79 = arith.cmpf oge, %add3A_76, %ge3A_78 : vector<16xf32>
      %mul3A_80 = arith.constant 0.00999999977 : f32
      %mul3A_81 = vector.broadcast %mul3A_80 : f32 to vector<16xf32>
      %mul3A_82 = arith.mulf %add3A_76, %mul3A_81 : vector<16xf32>
      %select_n3A_83 = arith.select %ge3A_79, %add3A_76, %mul3A_82 : vector<16xi1>, vector<16xf32>
      %exp3A_84 = math.exp %select_n3A_83 : vector<16xf32>
      %swap3A_85 = arith.index_cast %scan3A_35 : i32 to index
      %swap3A_86 = arith.constant 32 : index
      %swap3A_87 = tpu.vector_load %arg7[%swap3A_85, %swap3A_86] {strides = array<i32>} : memref<160x128xf32, #tpu.memory_space<vmem>>, vector<16xf32>,
      tpu.vector_store %arg7[%swap3A_85, %swap3A_86], %exp3A_84 {strides = array<i32>} : memref<160x128xf32, #tpu.memory_space<vmem>>, vector<16xf32>,
      %get3A_88 = arith.index_cast %scan3A_35 : i32 to index
      %get3A_89 = arith.constant 48 : index
      %get3A_90 = tpu.vector_load %arg6[%get3A_88, %get3A_89] {strides = array<i32>} : memref<160x128xi32, #tpu.memory_space<vmem>>, vector<16xi32>,
      %get3A_91 = arith.index_cast %scan3A_35 : i32 to index
      %get3A_92 = arith.constant 48 : index
      %get3A_93 = tpu.vector_load %arg7[%get3A_91, %get3A_92] {strides = array<i32>} : memref<160x128xf32, #tpu.memory_space<vmem>>, vector<16xf32>,
      %gather3A_94 = tpu.vector_load_idx %arg8[%get3A_90] : memref<10240xf32, #tpu.memory_space<vmem>>[vector<16xi32>], vector<16xf32>,
      %add3A_95 = arith.addf %get3A_93, %gather3A_94 : vector<16xf32>
      %ge3A_96 = arith.constant 0.000000e+00 : f32
      %ge3A_97 = vector.broadcast %ge3A_96 : f32 to vector<16xf32>
      %ge3A_98 = arith.cmpf oge, %add3A_95, %ge3A_97 : vector<16xf32>
      %mul3A_99 = arith.constant 0.00999999977 : f32
      %mul3A_100 = vector.broadcast %mul3A_99 : f32 to vector<16xf32>
      %mul3A_101 = arith.mulf %add3A_95, %mul3A_100 : vector<16xf32>
      %select_n3A_102 = arith.select %ge3A_98, %add3A_95, %mul3A_101 : vector<16xi1>, vector<16xf32>
      %exp3A_103 = math.exp %select_n3A_102 : vector<16xf32>
      %swap3A_104 = arith.index_cast %scan3A_35 : i32 to index
      %swap3A_105 = arith.constant 48 : index
      %swap3A_106 = tpu.vector_load %arg7[%swap3A_104, %swap3A_105] {strides = array<i32>} : memref<160x128xf32, #tpu.memory_space<vmem>>, vector<16xf32>,
      tpu.vector_store %arg7[%swap3A_104, %swap3A_105], %exp3A_103 {strides = array<i32>} : memref<160x128xf32, #tpu.memory_space<vmem>>, vector<16xf32>,
      %get3A_107 = arith.index_cast %scan3A_35 : i32 to index
      %get3A_108 = arith.constant 64 : index
      %get3A_109 = tpu.vector_load %arg6[%get3A_107, %get3A_108] {strides = array<i32>} : memref<160x128xi32, #tpu.memory_space<vmem>>, vector<16xi32>,
      %get3A_110 = arith.index_cast %scan3A_35 : i32 to index
      %get3A_111 = arith.constant 64 : index
      %get3A_112 = tpu.vector_load %arg7[%get3A_110, %get3A_111] {strides = array<i32>} : memref<160x128xf32, #tpu.memory_space<vmem>>, vector<16xf32>,
      %gather3A_113 = tpu.vector_load_idx %arg8[%get3A_109] : memref<10240xf32, #tpu.memory_space<vmem>>[vector<16xi32>], vector<16xf32>,
      %add3A_114 = arith.addf %get3A_112, %gather3A_113 : vector<16xf32>
      %ge3A_115 = arith.constant 0.000000e+00 : f32
      %ge3A_116 = vector.broadcast %ge3A_115 : f32 to vector<16xf32>
      %ge3A_117 = arith.cmpf oge, %add3A_114, %ge3A_116 : vector<16xf32>
      %mul3A_118 = arith.constant 0.00999999977 : f32
      %mul3A_119 = vector.broadcast %mul3A_118 : f32 to vector<16xf32>
      %mul3A_120 = arith.mulf %add3A_114, %mul3A_119 : vector<16xf32>
      %select_n3A_121 = arith.select %ge3A_117, %add3A_114, %mul3A_120 : vector<16xi1>, vector<16xf32>
      %exp3A_122 = math.exp %select_n3A_121 : vector<16xf32>
      %swap3A_123 = arith.index_cast %scan3A_35 : i32 to index
      %swap3A_124 = arith.constant 64 : index
      %swap3A_125 = tpu.vector_load %arg7[%swap3A_123, %swap3A_124] {strides = array<i32>} : memref<160x128xf32, #tpu.memory_space<vmem>>, vector<16xf32>,
      tpu.vector_store %arg7[%swap3A_123, %swap3A_124], %exp3A_122 {strides = array<i32>} : memref<160x128xf32, #tpu.memory_space<vmem>>, vector<16xf32>,
      %get3A_126 = arith.index_cast %scan3A_35 : i32 to index
      %get3A_127 = arith.constant 80 : index
      %get3A_128 = tpu.vector_load %arg6[%get3A_126, %get3A_127] {strides = array<i32>} : memref<160x128xi32, #tpu.memory_space<vmem>>, vector<16xi32>,
      %get3A_129 = arith.index_cast %scan3A_35 : i32 to index
      %get3A_130 = arith.constant 80 : index
      %get3A_131 = tpu.vector_load %arg7[%get3A_129, %get3A_130] {strides = array<i32>} : memref<160x128xf32, #tpu.memory_space<vmem>>, vector<16xf32>,
      %gather3A_132 = tpu.vector_load_idx %arg8[%get3A_128] : memref<10240xf32, #tpu.memory_space<vmem>>[vector<16xi32>], vector<16xf32>,
      %add3A_133 = arith.addf %get3A_131, %gather3A_132 : vector<16xf32>
      %ge3A_134 = arith.constant 0.000000e+00 : f32
      %ge3A_135 = vector.broadcast %ge3A_134 : f32 to vector<16xf32>
      %ge3A_136 = arith.cmpf oge, %add3A_133, %ge3A_135 : vector<16xf32>
      %mul3A_137 = arith.constant 0.00999999977 : f32
      %mul3A_138 = vector.broadcast %mul3A_137 : f32 to vector<16xf32>
      %mul3A_139 = arith.mulf %add3A_133, %mul3A_138 : vector<16xf32>
      %select_n3A_140 = arith.select %ge3A_136, %add3A_133, %mul3A_139 : vector<16xi1>, vector<16xf32>
      %exp3A_141 = math.exp %select_n3A_140 : vector<16xf32>
      %swap3A_142 = arith.index_cast %scan3A_35 : i32 to index
      %swap3A_143 = arith.constant 80 : index
      %swap3A_144 = tpu.vector_load %arg7[%swap3A_142, %swap3A_143] {strides = array<i32>} : memref<160x128xf32, #tpu.memory_space<vmem>>, vector<16xf32>,
      tpu.vector_store %arg7[%swap3A_142, %swap3A_143], %exp3A_141 {strides = array<i32>} : memref<160x128xf32, #tpu.memory_space<vmem>>, vector<16xf32>,
      %get3A_145 = arith.index_cast %scan3A_35 : i32 to index
      %get3A_146 = arith.constant 96 : index
      %get3A_147 = tpu.vector_load %arg6[%get3A_145, %get3A_146] {strides = array<i32>} : memref<160x128xi32, #tpu.memory_space<vmem>>, vector<16xi32>,
      %get3A_148 = arith.index_cast %scan3A_35 : i32 to index
      %get3A_149 = arith.constant 96 : index
      %get3A_150 = tpu.vector_load %arg7[%get3A_148, %get3A_149] {strides = array<i32>} : memref<160x128xf32, #tpu.memory_space<vmem>>, vector<16xf32>,
      %gather3A_151 = tpu.vector_load_idx %arg8[%get3A_147] : memref<10240xf32, #tpu.memory_space<vmem>>[vector<16xi32>], vector<16xf32>,
      %add3A_152 = arith.addf %get3A_150, %gather3A_151 : vector<16xf32>
      %ge3A_153 = arith.constant 0.000000e+00 : f32
      %ge3A_154 = vector.broadcast %ge3A_153 : f32 to vector<16xf32>
      %ge3A_155 = arith.cmpf oge, %add3A_152, %ge3A_154 : vector<16xf32>
      %mul3A_156 = arith.constant 0.00999999977 : f32
      %mul3A_157 = vector.broadcast %mul3A_156 : f32 to vector<16xf32>
      %mul3A_158 = arith.mulf %add3A_152, %mul3A_157 : vector<16xf32>
      %select_n3A_159 = arith.select %ge3A_155, %add3A_152, %mul3A_158 : vector<16xi1>, vector<16xf32>
      %exp3A_160 = math.exp %select_n3A_159 : vector<16xf32>
      %swap3A_161 = arith.index_cast %scan3A_35 : i32 to index
      %swap3A_162 = arith.constant 96 : index
      %swap3A_163 = tpu.vector_load %arg7[%swap3A_161, %swap3A_162] {strides = array<i32>} : memref<160x128xf32, #tpu.memory_space<vmem>>, vector<16xf32>,
      tpu.vector_store %arg7[%swap3A_161, %swap3A_162], %exp3A_160 {strides = array<i32>} : memref<160x128xf32, #tpu.memory_space<vmem>>, vector<16xf32>,
      %get3A_164 = arith.index_cast %scan3A_35 : i32 to index
      %get3A_165 = arith.constant 112 : index
      %get3A_166 = tpu.vector_load %arg6[%get3A_164, %get3A_165] {strides = array<i32>} : memref<160x128xi32, #tpu.memory_space<vmem>>, vector<16xi32>,
      %get3A_167 = arith.index_cast %scan3A_35 : i32 to index
      %get3A_168 = arith.constant 112 : index
      %get3A_169 = tpu.vector_load %arg7[%get3A_167, %get3A_168] {strides = array<i32>} : memref<160x128xf32, #tpu.memory_space<vmem>>, vector<16xf32>,
      %gather3A_170 = tpu.vector_load_idx %arg8[%get3A_166] : memref<10240xf32, #tpu.memory_space<vmem>>[vector<16xi32>], vector<16xf32>,
      %add3A_171 = arith.addf %get3A_169, %gather3A_170 : vector<16xf32>
      %ge3A_172 = arith.constant 0.000000e+00 : f32
      %ge3A_173 = vector.broadcast %ge3A_172 : f32 to vector<16xf32>
      %ge3A_174 = arith.cmpf oge, %add3A_171, %ge3A_173 : vector<16xf32>
      %mul3A_175 = arith.constant 0.00999999977 : f32
      %mul3A_176 = vector.broadcast %mul3A_175 : f32 to vector<16xf32>
      %mul3A_177 = arith.mulf %add3A_171, %mul3A_176 : vector<16xf32>
      %select_n3A_178 = arith.select %ge3A_174, %add3A_171, %mul3A_177 : vector<16xi1>, vector<16xf32>
      %exp3A_179 = math.exp %select_n3A_178 : vector<16xf32>
      %swap3A_180 = arith.index_cast %scan3A_35 : i32 to index
      %swap3A_181 = arith.constant 112 : index
      %swap3A_182 = tpu.vector_load %arg7[%swap3A_180, %swap3A_181] {strides = array<i32>} : memref<160x128xf32, #tpu.memory_space<vmem>>, vector<16xf32>,
      tpu.vector_store %arg7[%swap3A_180, %swap3A_181], %exp3A_179 {strides = array<i32>} : memref<160x128xf32, #tpu.memory_space<vmem>>, vector<16xf32>,
      %dma_start3A = arith.constant 0 : i32
      %dma_start3A_183 = tpu.memref_slice %arg7[%scan3A_35, %dma_start3A] : memref<160x128xf32, #tpu.memory_space<vmem>> -> memref<1x128xf32, #tpu.memory_space<vmem>>
      %dma_start3A_184 = tpu.memref_squeeze %dma_start3A_183 : memref<1x128xf32, #tpu.memory_space<vmem>> -> memref<128xf32, #tpu.memory_space<vmem>>
      %dma_start3A_185 = arith.constant 0 : i32
      %dma_start3A_186 = tpu.memref_slice %arg6[%scan3A_35, %dma_start3A_185] : memref<160x128xi32, #tpu.memory_space<vmem>> -> memref<1x128xi32, #tpu.memory_space<vmem>>
      %dma_start3A_187 = tpu.memref_squeeze %dma_start3A_186 : memref<1x128xi32, #tpu.memory_space<vmem>> -> memref<128xi32, #tpu.memory_space<vmem>>
      %dma_start3A_188 = arith.constant 0 : i32
      %dma_start3A_189 = tpu.memref_slice %arg11[%dma_start3A_188] : memref<10240xf32, #tpu.memory_space<vmem_shared>> -> memref<10240xf32, #tpu.memory_space<vmem_shared>>
      tpu.enqueue_indirect_dma source(%dma_start3A_184 : memref<128xf32, #tpu.memory_space<vmem>>) target(%dma_start3A_189 : memref<10240xf32, #tpu.memory_space<vmem_shared>>) offsets(%dma_start3A_187 : memref<128xi32, #tpu.memory_space<vmem>>) semaphore(%arg12 : memref<!tpu.dma_semaphore, #tpu.memory_space<semaphore_mem>>) {add = true}
      %ge3A_190 = arith.constant 8 : i32
      %ge3A_191 = arith.cmpi sge, %scan3A_35, %ge3A_190 : i32
      %convert_element_type3A = arith.extui %ge3A_191 : i1 to i32
      %cond3A = arith.constant 0 : i32
      %cond3A_192 = arith.cmpi ne, %convert_element_type3A, %cond3A : i32
      scf.if %cond3A_192 {
        %dma_wait3A = arith.constant 0 : i32
        %dma_wait3A_194 = arith.constant 0 : i32
        %dma_wait3A_195 = arith.constant 0 : i32
        %dma_wait3A_196 = tpu.memref_slice %arg7[%dma_wait3A, %dma_wait3A_195] : memref<160x128xf32, #tpu.memory_space<vmem>> -> memref<1x128xf32, #tpu.memory_space<vmem>>
        %dma_wait3A_197 = tpu.memref_squeeze %dma_wait3A_196 : memref<1x128xf32, #tpu.memory_space<vmem>> -> memref<128xf32, #tpu.memory_space<vmem>>
        %dma_wait3A_198 = arith.constant 0 : i32
        %dma_wait3A_199 = tpu.memref_slice %arg6[%dma_wait3A_194, %dma_wait3A_198] : memref<160x128xi32, #tpu.memory_space<vmem>> -> memref<1x128xi32, #tpu.memory_space<vmem>>
        %dma_wait3A_200 = tpu.memref_squeeze %dma_wait3A_199 : memref<1x128xi32, #tpu.memory_space<vmem>> -> memref<128xi32, #tpu.memory_space<vmem>>
        %dma_wait3A_201 = arith.constant 0 : i32
        %dma_wait3A_202 = tpu.memref_slice %arg11[%dma_wait3A_201] : memref<10240xf32, #tpu.memory_space<vmem_shared>> -> memref<10240xf32, #tpu.memory_space<vmem_shared>>
        tpu.wait_indirect_dma semaphore(%arg12 : memref<!tpu.dma_semaphore, #tpu.memory_space<semaphore_mem>>) src(%dma_wait3A_197 : memref<128xf32, #tpu.memory_space<vmem>>) dst(%dma_wait3A_202 : memref<10240xf32, #tpu.memory_space<vmem_shared>>)
      } else {
      }
      %scan3A_193 = arith.constant 0 : i32
      scf.yield %scan3A_193 : i32
    }
    %scan3A_15 = arith.constant 160 : i32
    "tpu.trace_stop"() : () -> ()
    "tpu.trace_start"() <{level = 10 : i32, message = "sc_drain"}> : () -> ()
    %scan3A_16 = arith.constant 0 : i32
    %scan3A_17 = arith.constant 0 : i32
    %scan3A_18 = arith.constant 8 : i32
    %scan3A_19 = arith.addi %scan3A_17, %scan3A_18 : i32
    %scan3A_20 = arith.constant 1 : i32
    %scan3A_21 = scf.for %scan3A_35 = %scan3A_17 to %scan3A_19 step %scan3A_20 iter_args(%scan3A_36 = %scan3A_16) -> (i32)  : i32 {
      %dma_wait3A = arith.constant 0 : i32
      %dma_wait3A_37 = arith.constant 0 : i32
      %dma_wait3A_38 = arith.constant 0 : i32
      %dma_wait3A_39 = tpu.memref_slice %arg7[%dma_wait3A, %dma_wait3A_38] : memref<160x128xf32, #tpu.memory_space<vmem>> -> memref<1x128xf32, #tpu.memory_space<vmem>>
      %dma_wait3A_40 = tpu.memref_squeeze %dma_wait3A_39 : memref<1x128xf32, #tpu.memory_space<vmem>> -> memref<128xf32, #tpu.memory_space<vmem>>
      %dma_wait3A_41 = arith.constant 0 : i32
      %dma_wait3A_42 = tpu.memref_slice %arg6[%dma_wait3A_37, %dma_wait3A_41] : memref<160x128xi32, #tpu.memory_space<vmem>> -> memref<1x128xi32, #tpu.memory_space<vmem>>
      %dma_wait3A_43 = tpu.memref_squeeze %dma_wait3A_42 : memref<1x128xi32, #tpu.memory_space<vmem>> -> memref<128xi32, #tpu.memory_space<vmem>>
      %dma_wait3A_44 = arith.constant 0 : i32
      %dma_wait3A_45 = tpu.memref_slice %arg11[%dma_wait3A_44] : memref<10240xf32, #tpu.memory_space<vmem_shared>> -> memref<10240xf32, #tpu.memory_space<vmem_shared>>
      tpu.wait_indirect_dma semaphore(%arg12 : memref<!tpu.dma_semaphore, #tpu.memory_space<semaphore_mem>>) src(%dma_wait3A_40 : memref<128xf32, #tpu.memory_space<vmem>>) dst(%dma_wait3A_45 : memref<10240xf32, #tpu.memory_space<vmem_shared>>)
      %scan3A_46 = arith.constant 0 : i32
      scf.yield %scan3A_46 : i32
    }
    %scan3A_22 = arith.constant 8 : i32
    %barrier3A_23 = arith.constant 0 : index
    tpu.barrier barrier_id(%barrier3A_23)
    "tpu.trace_stop"() : () -> ()
    "tpu.trace_start"() <{level = 10 : i32, message = "sc_dencopy"}> : () -> ()
    "tpu.region"() ({
      %run_scoped3A = tpu.sem_alloc : memref<!tpu.dma_semaphore, #tpu.memory_space<semaphore_mem>>
      tpu.enqueue_dma source(%arg11 : memref<10240xf32, #tpu.memory_space<vmem_shared>>) target(%arg9 : memref<10240xf32, #tpu.memory_space<vmem>>) target_semaphore(%run_scoped3A : memref<!tpu.dma_semaphore, #tpu.memory_space<semaphore_mem>>)
      tpu.wait_dma2 semaphore(%run_scoped3A : memref<!tpu.dma_semaphore, #tpu.memory_space<semaphore_mem>>) src(%arg11 : memref<10240xf32, #tpu.memory_space<vmem_shared>>) dst(%arg9 : memref<10240xf32, #tpu.memory_space<vmem>>)
      tpu.yield
    }) : () -> ()
    "tpu.trace_stop"() : () -> ()
    "tpu.trace_start"() <{level = 10 : i32, message = "sc_gamma"}> : () -> ()
    %scan3A_24 = arith.constant 0 : i32
    %scan3A_25 = arith.constant 0 : i32
    %scan3A_26 = arith.constant 80 : i32
    %scan3A_27 = arith.addi %scan3A_25, %scan3A_26 : i32
    %scan3A_28 = arith.constant 1 : i32
    %scan3A_29 = scf.for %scan3A_35 = %scan3A_25 to %scan3A_27 step %scan3A_28 iter_args(%scan3A_36 = %scan3A_24) -> (i32)  : i32 {
      %mul3A_37 = arith.constant 80 : i32
      %mul3A_38 = arith.muli %arg0, %mul3A_37 : i32
      %add3A_39 = arith.addi %mul3A_38, %scan3A_35 : i32
      %get3A = arith.index_cast %add3A_39 : i32 to index
      %get3A_40 = arith.constant 0 : index
      %get3A_41 = tpu.vector_load %arg6[%get3A, %get3A_40] {strides = array<i32>} : memref<160x128xi32, #tpu.memory_space<vmem>>, vector<16xi32>,
      %get3A_42 = arith.index_cast %add3A_39 : i32 to index
      %get3A_43 = arith.constant 0 : index
      %get3A_44 = tpu.vector_load %arg7[%get3A_42, %get3A_43] {strides = array<i32>} : memref<160x128xf32, #tpu.memory_space<vmem>>, vector<16xf32>,
      %gather3A = tpu.vector_load_idx %arg9[%get3A_41] : memref<10240xf32, #tpu.memory_space<vmem>>[vector<16xi32>], vector<16xf32>,
      %max3A = arith.constant 9.99999971E-10 : f32
      %max3A_45 = vector.broadcast %max3A : f32 to vector<16xf32>
      %max3A_46 = arith.maximumf %gather3A, %max3A_45 : vector<16xf32>
      %div3A = arith.divf %get3A_44, %max3A_46 : vector<16xf32>
      %swap3A = arith.index_cast %add3A_39 : i32 to index
      %swap3A_47 = arith.constant 0 : index
      %swap3A_48 = tpu.vector_load %arg7[%swap3A, %swap3A_47] {strides = array<i32>} : memref<160x128xf32, #tpu.memory_space<vmem>>, vector<16xf32>,
      tpu.vector_store %arg7[%swap3A, %swap3A_47], %div3A {strides = array<i32>} : memref<160x128xf32, #tpu.memory_space<vmem>>, vector<16xf32>,
      %get3A_49 = arith.index_cast %add3A_39 : i32 to index
      %get3A_50 = arith.constant 16 : index
      %get3A_51 = tpu.vector_load %arg6[%get3A_49, %get3A_50] {strides = array<i32>} : memref<160x128xi32, #tpu.memory_space<vmem>>, vector<16xi32>,
      %get3A_52 = arith.index_cast %add3A_39 : i32 to index
      %get3A_53 = arith.constant 16 : index
      %get3A_54 = tpu.vector_load %arg7[%get3A_52, %get3A_53] {strides = array<i32>} : memref<160x128xf32, #tpu.memory_space<vmem>>, vector<16xf32>,
      %gather3A_55 = tpu.vector_load_idx %arg9[%get3A_51] : memref<10240xf32, #tpu.memory_space<vmem>>[vector<16xi32>], vector<16xf32>,
      %max3A_56 = arith.constant 9.99999971E-10 : f32
      %max3A_57 = vector.broadcast %max3A_56 : f32 to vector<16xf32>
      %max3A_58 = arith.maximumf %gather3A_55, %max3A_57 : vector<16xf32>
      %div3A_59 = arith.divf %get3A_54, %max3A_58 : vector<16xf32>
      %swap3A_60 = arith.index_cast %add3A_39 : i32 to index
      %swap3A_61 = arith.constant 16 : index
      %swap3A_62 = tpu.vector_load %arg7[%swap3A_60, %swap3A_61] {strides = array<i32>} : memref<160x128xf32, #tpu.memory_space<vmem>>, vector<16xf32>,
      tpu.vector_store %arg7[%swap3A_60, %swap3A_61], %div3A_59 {strides = array<i32>} : memref<160x128xf32, #tpu.memory_space<vmem>>, vector<16xf32>,
      %get3A_63 = arith.index_cast %add3A_39 : i32 to index
      %get3A_64 = arith.constant 32 : index
      %get3A_65 = tpu.vector_load %arg6[%get3A_63, %get3A_64] {strides = array<i32>} : memref<160x128xi32, #tpu.memory_space<vmem>>, vector<16xi32>,
      %get3A_66 = arith.index_cast %add3A_39 : i32 to index
      %get3A_67 = arith.constant 32 : index
      %get3A_68 = tpu.vector_load %arg7[%get3A_66, %get3A_67] {strides = array<i32>} : memref<160x128xf32, #tpu.memory_space<vmem>>, vector<16xf32>,
      %gather3A_69 = tpu.vector_load_idx %arg9[%get3A_65] : memref<10240xf32, #tpu.memory_space<vmem>>[vector<16xi32>], vector<16xf32>,
      %max3A_70 = arith.constant 9.99999971E-10 : f32
      %max3A_71 = vector.broadcast %max3A_70 : f32 to vector<16xf32>
      %max3A_72 = arith.maximumf %gather3A_69, %max3A_71 : vector<16xf32>
      %div3A_73 = arith.divf %get3A_68, %max3A_72 : vector<16xf32>
      %swap3A_74 = arith.index_cast %add3A_39 : i32 to index
      %swap3A_75 = arith.constant 32 : index
      %swap3A_76 = tpu.vector_load %arg7[%swap3A_74, %swap3A_75] {strides = array<i32>} : memref<160x128xf32, #tpu.memory_space<vmem>>, vector<16xf32>,
      tpu.vector_store %arg7[%swap3A_74, %swap3A_75], %div3A_73 {strides = array<i32>} : memref<160x128xf32, #tpu.memory_space<vmem>>, vector<16xf32>,
      %get3A_77 = arith.index_cast %add3A_39 : i32 to index
      %get3A_78 = arith.constant 48 : index
      %get3A_79 = tpu.vector_load %arg6[%get3A_77, %get3A_78] {strides = array<i32>} : memref<160x128xi32, #tpu.memory_space<vmem>>, vector<16xi32>,
      %get3A_80 = arith.index_cast %add3A_39 : i32 to index
      %get3A_81 = arith.constant 48 : index
      %get3A_82 = tpu.vector_load %arg7[%get3A_80, %get3A_81] {strides = array<i32>} : memref<160x128xf32, #tpu.memory_space<vmem>>, vector<16xf32>,
      %gather3A_83 = tpu.vector_load_idx %arg9[%get3A_79] : memref<10240xf32, #tpu.memory_space<vmem>>[vector<16xi32>], vector<16xf32>,
      %max3A_84 = arith.constant 9.99999971E-10 : f32
      %max3A_85 = vector.broadcast %max3A_84 : f32 to vector<16xf32>
      %max3A_86 = arith.maximumf %gather3A_83, %max3A_85 : vector<16xf32>
      %div3A_87 = arith.divf %get3A_82, %max3A_86 : vector<16xf32>
      %swap3A_88 = arith.index_cast %add3A_39 : i32 to index
      %swap3A_89 = arith.constant 48 : index
      %swap3A_90 = tpu.vector_load %arg7[%swap3A_88, %swap3A_89] {strides = array<i32>} : memref<160x128xf32, #tpu.memory_space<vmem>>, vector<16xf32>,
      tpu.vector_store %arg7[%swap3A_88, %swap3A_89], %div3A_87 {strides = array<i32>} : memref<160x128xf32, #tpu.memory_space<vmem>>, vector<16xf32>,
      %get3A_91 = arith.index_cast %add3A_39 : i32 to index
      %get3A_92 = arith.constant 64 : index
      %get3A_93 = tpu.vector_load %arg6[%get3A_91, %get3A_92] {strides = array<i32>} : memref<160x128xi32, #tpu.memory_space<vmem>>, vector<16xi32>,
      %get3A_94 = arith.index_cast %add3A_39 : i32 to index
      %get3A_95 = arith.constant 64 : index
      %get3A_96 = tpu.vector_load %arg7[%get3A_94, %get3A_95] {strides = array<i32>} : memref<160x128xf32, #tpu.memory_space<vmem>>, vector<16xf32>,
      %gather3A_97 = tpu.vector_load_idx %arg9[%get3A_93] : memref<10240xf32, #tpu.memory_space<vmem>>[vector<16xi32>], vector<16xf32>,
      %max3A_98 = arith.constant 9.99999971E-10 : f32
      %max3A_99 = vector.broadcast %max3A_98 : f32 to vector<16xf32>
      %max3A_100 = arith.maximumf %gather3A_97, %max3A_99 : vector<16xf32>
      %div3A_101 = arith.divf %get3A_96, %max3A_100 : vector<16xf32>
      %swap3A_102 = arith.index_cast %add3A_39 : i32 to index
      %swap3A_103 = arith.constant 64 : index
      %swap3A_104 = tpu.vector_load %arg7[%swap3A_102, %swap3A_103] {strides = array<i32>} : memref<160x128xf32, #tpu.memory_space<vmem>>, vector<16xf32>,
      tpu.vector_store %arg7[%swap3A_102, %swap3A_103], %div3A_101 {strides = array<i32>} : memref<160x128xf32, #tpu.memory_space<vmem>>, vector<16xf32>,
      %get3A_105 = arith.index_cast %add3A_39 : i32 to index
      %get3A_106 = arith.constant 80 : index
      %get3A_107 = tpu.vector_load %arg6[%get3A_105, %get3A_106] {strides = array<i32>} : memref<160x128xi32, #tpu.memory_space<vmem>>, vector<16xi32>,
      %get3A_108 = arith.index_cast %add3A_39 : i32 to index
      %get3A_109 = arith.constant 80 : index
      %get3A_110 = tpu.vector_load %arg7[%get3A_108, %get3A_109] {strides = array<i32>} : memref<160x128xf32, #tpu.memory_space<vmem>>, vector<16xf32>,
      %gather3A_111 = tpu.vector_load_idx %arg9[%get3A_107] : memref<10240xf32, #tpu.memory_space<vmem>>[vector<16xi32>], vector<16xf32>,
      %max3A_112 = arith.constant 9.99999971E-10 : f32
      %max3A_113 = vector.broadcast %max3A_112 : f32 to vector<16xf32>
      %max3A_114 = arith.maximumf %gather3A_111, %max3A_113 : vector<16xf32>
      %div3A_115 = arith.divf %get3A_110, %max3A_114 : vector<16xf32>
      %swap3A_116 = arith.index_cast %add3A_39 : i32 to index
      %swap3A_117 = arith.constant 80 : index
      %swap3A_118 = tpu.vector_load %arg7[%swap3A_116, %swap3A_117] {strides = array<i32>} : memref<160x128xf32, #tpu.memory_space<vmem>>, vector<16xf32>,
      tpu.vector_store %arg7[%swap3A_116, %swap3A_117], %div3A_115 {strides = array<i32>} : memref<160x128xf32, #tpu.memory_space<vmem>>, vector<16xf32>,
      %get3A_119 = arith.index_cast %add3A_39 : i32 to index
      %get3A_120 = arith.constant 96 : index
      %get3A_121 = tpu.vector_load %arg6[%get3A_119, %get3A_120] {strides = array<i32>} : memref<160x128xi32, #tpu.memory_space<vmem>>, vector<16xi32>,
      %get3A_122 = arith.index_cast %add3A_39 : i32 to index
      %get3A_123 = arith.constant 96 : index
      %get3A_124 = tpu.vector_load %arg7[%get3A_122, %get3A_123] {strides = array<i32>} : memref<160x128xf32, #tpu.memory_space<vmem>>, vector<16xf32>,
      %gather3A_125 = tpu.vector_load_idx %arg9[%get3A_121] : memref<10240xf32, #tpu.memory_space<vmem>>[vector<16xi32>], vector<16xf32>,
      %max3A_126 = arith.constant 9.99999971E-10 : f32
      %max3A_127 = vector.broadcast %max3A_126 : f32 to vector<16xf32>
      %max3A_128 = arith.maximumf %gather3A_125, %max3A_127 : vector<16xf32>
      %div3A_129 = arith.divf %get3A_124, %max3A_128 : vector<16xf32>
      %swap3A_130 = arith.index_cast %add3A_39 : i32 to index
      %swap3A_131 = arith.constant 96 : index
      %swap3A_132 = tpu.vector_load %arg7[%swap3A_130, %swap3A_131] {strides = array<i32>} : memref<160x128xf32, #tpu.memory_space<vmem>>, vector<16xf32>,
      tpu.vector_store %arg7[%swap3A_130, %swap3A_131], %div3A_129 {strides = array<i32>} : memref<160x128xf32, #tpu.memory_space<vmem>>, vector<16xf32>,
      %get3A_133 = arith.index_cast %add3A_39 : i32 to index
      %get3A_134 = arith.constant 112 : index
      %get3A_135 = tpu.vector_load %arg6[%get3A_133, %get3A_134] {strides = array<i32>} : memref<160x128xi32, #tpu.memory_space<vmem>>, vector<16xi32>,
      %get3A_136 = arith.index_cast %add3A_39 : i32 to index
      %get3A_137 = arith.constant 112 : index
      %get3A_138 = tpu.vector_load %arg7[%get3A_136, %get3A_137] {strides = array<i32>} : memref<160x128xf32, #tpu.memory_space<vmem>>, vector<16xf32>,
      %gather3A_139 = tpu.vector_load_idx %arg9[%get3A_135] : memref<10240xf32, #tpu.memory_space<vmem>>[vector<16xi32>], vector<16xf32>,
      %max3A_140 = arith.constant 9.99999971E-10 : f32
      %max3A_141 = vector.broadcast %max3A_140 : f32 to vector<16xf32>
      %max3A_142 = arith.maximumf %gather3A_139, %max3A_141 : vector<16xf32>
      %div3A_143 = arith.divf %get3A_138, %max3A_142 : vector<16xf32>
      %swap3A_144 = arith.index_cast %add3A_39 : i32 to index
      %swap3A_145 = arith.constant 112 : index
      %swap3A_146 = tpu.vector_load %arg7[%swap3A_144, %swap3A_145] {strides = array<i32>} : memref<160x128xf32, #tpu.memory_space<vmem>>, vector<16xf32>,
      tpu.vector_store %arg7[%swap3A_144, %swap3A_145], %div3A_143 {strides = array<i32>} : memref<160x128xf32, #tpu.memory_space<vmem>>, vector<16xf32>,
      %scan3A_147 = arith.constant 0 : i32
      scf.yield %scan3A_147 : i32
    }
    %scan3A_30 = arith.constant 80 : i32
    "tpu.trace_stop"() : () -> ()
    "tpu.trace_start"() <{level = 10 : i32, message = "sc_out"}> : () -> ()
    %mul3A_31 = arith.constant 80 : i32
    %mul3A_32 = arith.muli %arg0, %mul3A_31 : i32
    %mul3A_33 = arith.constant 80 : i32
    %mul3A_34 = arith.muli %arg0, %mul3A_33 : i32
    %add3A = arith.addi %mul3A_0, %mul3A_34 : i32
    "tpu.region"() ({
      %run_scoped3A = tpu.sem_alloc : memref<!tpu.dma_semaphore, #tpu.memory_space<semaphore_mem>>
      %dma_start3A = arith.constant 0 : i32
      %dma_start3A_35 = tpu.memref_slice %arg7[%mul3A_32, %dma_start3A] : memref<160x128xf32, #tpu.memory_space<vmem>> -> memref<80x128xf32, #tpu.memory_space<vmem>>
      %dma_start3A_36 = arith.constant 0 : i32
      %dma_start3A_37 = tpu.memref_slice %arg5[%add3A, %dma_start3A_36] : memref<2560x128xf32, #tpu.memory_space<hbm>> -> memref<80x128xf32, #tpu.memory_space<hbm>>
      %dma_start3A_38 = arith.constant 0 : i32
      %dma_start3A_39 = tpu.memref_slice %arg5[%add3A, %dma_start3A_38] : memref<2560x128xf32, #tpu.memory_space<hbm>> -> memref<80x128xf32, #tpu.memory_space<hbm>>
      %dma_start3A_40 = arith.constant 0 : i32
      %dma_start3A_41 = tpu.memref_slice %arg7[%mul3A_32, %dma_start3A_40] : memref<160x128xf32, #tpu.memory_space<vmem>> -> memref<80x128xf32, #tpu.memory_space<vmem>>
      tpu.enqueue_dma source(%dma_start3A_41 : memref<80x128xf32, #tpu.memory_space<vmem>>) target(%dma_start3A_39 : memref<80x128xf32, #tpu.memory_space<hbm>>) target_semaphore(%run_scoped3A : memref<!tpu.dma_semaphore, #tpu.memory_space<semaphore_mem>>)
      %dma_wait3A = arith.constant 0 : i32
      %dma_wait3A_42 = tpu.memref_slice %arg7[%mul3A_32, %dma_wait3A] : memref<160x128xf32, #tpu.memory_space<vmem>> -> memref<80x128xf32, #tpu.memory_space<vmem>>
      %dma_wait3A_43 = arith.constant 0 : i32
      %dma_wait3A_44 = tpu.memref_slice %arg5[%add3A, %dma_wait3A_43] : memref<2560x128xf32, #tpu.memory_space<hbm>> -> memref<80x128xf32, #tpu.memory_space<hbm>>
      %dma_wait3A_45 = arith.constant 0 : i32
      %dma_wait3A_46 = tpu.memref_slice %arg5[%add3A, %dma_wait3A_45] : memref<2560x128xf32, #tpu.memory_space<hbm>> -> memref<80x128xf32, #tpu.memory_space<hbm>>
      %dma_wait3A_47 = arith.constant 0 : i32
      %dma_wait3A_48 = tpu.memref_slice %arg7[%mul3A_32, %dma_wait3A_47] : memref<160x128xf32, #tpu.memory_space<vmem>> -> memref<80x128xf32, #tpu.memory_space<vmem>>
      tpu.wait_dma2 semaphore(%run_scoped3A : memref<!tpu.dma_semaphore, #tpu.memory_space<semaphore_mem>>) src(%dma_wait3A_48 : memref<80x128xf32, #tpu.memory_space<vmem>>) dst(%dma_wait3A_46 : memref<80x128xf32, #tpu.memory_space<hbm>>)
      tpu.yield
    }) : () -> ()
    "tpu.trace_stop"() : () -> ()
    return
  }
}

module attributes {stable_mosaic.version = 14 : i64} {
  func.func @_pre_body(%arg0: i32, %arg1: memref<16x20480xf32, #tpu.memory_space<vmem>>, %arg2: memref<1x16xf32, #tpu.memory_space<vmem>>, %arg3: memref<10000x128xf32, #tpu.memory_space<vmem>>, %arg4: memref<128x1xf32, #tpu.memory_space<vmem>>, %arg5: memref<2x20480xi32, #tpu.memory_space<vmem>>, %arg6: memref<1x20480xf32, #tpu.memory_space<vmem>>, %arg7: memref<10240x1xf32, #tpu.memory_space<vmem>>, %arg8: memref<1x20480xi32, #tpu.memory_space<vmem>>) attributes {dimension_semantics = [#tpu.dimension_semantics<arbitrary>], iteration_bounds = array<i64: 16>, scalar_prefetch = 0 : i64, scratch_operands = 0 : i64, tpu.core_type = #tpu.core_type<tc>, window_params = [{transform_indices = @transform_0, window_bounds = array<i64: 16, 20480>}, {pipeline_mode = #tpu.pipeline_mode<synchronous>, transform_indices = @transform_1, window_bounds = array<i64: 1, 16>}, {pipeline_mode = #tpu.pipeline_mode<synchronous>, transform_indices = @transform_2, window_bounds = array<i64: 10000, 128>}, {pipeline_mode = #tpu.pipeline_mode<synchronous>, transform_indices = @transform_3, window_bounds = array<i64: 128, 1>}, {transform_indices = @transform_4, window_bounds = array<i64: 2, 20480>}, {transform_indices = @transform_5, window_bounds = array<i64: 1, 20480>}, {pipeline_mode = #tpu.pipeline_mode<synchronous>, transform_indices = @transform_6, window_bounds = array<i64: 10240, 1>}, {transform_indices = @transform_7, window_bounds = array<i64: 1, 20480>}]} {
    %get3A = arith.constant 0 : index
    %get3A_0 = arith.constant 0 : index
    %get3A_1 = vector.load %arg2[%get3A, %get3A_0] : memref<1x16xf32, #tpu.memory_space<vmem>>, vector<1x16xf32>
    %get3A_2 = arith.constant 0 : index
    %get3A_3 = arith.constant 0 : index
    %get3A_4 = vector.load %arg1[%get3A_2, %get3A_3] : memref<16x20480xf32, #tpu.memory_space<vmem>>, vector<16x20480xf32>
    %dot_general3A = arith.constant dense<0.000000e+00> : vector<1x20480xf32>
    %dot_general3A_5 = tpu.matmul %get3A_1, %get3A_4, %dot_general3A {dimension_numbers = #tpu.dot_dimension_numbers<[1], [0], [0], [1], [0, 0, 1, 1], [], []>, transpose_lhs_hint = false} : vector<1x16xf32>, vector<16x20480xf32>, vector<1x20480xf32> -> vector<1x20480xf32>
    %swap3A = arith.constant 0 : index
    %swap3A_6 = arith.constant 0 : index
    %swap3A_7 = vector.load %arg6[%swap3A, %swap3A_6] : memref<1x20480xf32, #tpu.memory_space<vmem>>, vector<1x20480xf32>
    tpu.vector_store %arg6[%swap3A, %swap3A_6], %dot_general3A_5 {strides = array<i32>} : memref<1x20480xf32, #tpu.memory_space<vmem>>, vector<1x20480xf32>,
    %get3A_8 = arith.constant 0 : index
    %get3A_9 = arith.constant 0 : index
    %get3A_10 = vector.load %arg5[%get3A_8, %get3A_9] : memref<2x20480xi32, #tpu.memory_space<vmem>>, vector<1x20480xi32>
    %swap3A_11 = arith.constant 0 : index
    %swap3A_12 = arith.constant 0 : index
    %swap3A_13 = vector.load %arg8[%swap3A_11, %swap3A_12] : memref<1x20480xi32, #tpu.memory_space<vmem>>, vector<1x20480xi32>
    tpu.vector_store %arg8[%swap3A_11, %swap3A_12], %get3A_10 {strides = array<i32>} : memref<1x20480xi32, #tpu.memory_space<vmem>>, vector<1x20480xi32>,
    %eq3A = arith.constant 15 : i32
    %eq3A_14 = arith.cmpi eq, %arg0, %eq3A : i32
    %convert_element_type3A = arith.extui %eq3A_14 : i1 to i32
    %cond3A = arith.constant 0 : i32
    %cond3A_15 = arith.cmpi ne, %convert_element_type3A, %cond3A : i32
    scf.if %cond3A_15 {
      %broadcast_in_dim3A = arith.constant 10239 : i32
      %broadcast_in_dim3A_21 = vector.broadcast %broadcast_in_dim3A : i32 to vector<1x7680xi32>
      %swap3A_22 = arith.constant 0 : index
      %swap3A_23 = arith.constant 12800 : index
      %swap3A_24 = vector.load %arg8[%swap3A_22, %swap3A_23] : memref<1x20480xi32, #tpu.memory_space<vmem>>, vector<1x7680xi32>
      tpu.vector_store %arg8[%swap3A_22, %swap3A_23], %broadcast_in_dim3A_21 {strides = array<i32>} : memref<1x20480xi32, #tpu.memory_space<vmem>>, vector<1x7680xi32>,
    } else {
    }
    %eq3A_16 = arith.constant 0 : i32
    %eq3A_17 = arith.cmpi eq, %arg0, %eq3A_16 : i32
    %convert_element_type3A_18 = arith.extui %eq3A_17 : i1 to i32
    %cond3A_19 = arith.constant 0 : i32
    %cond3A_20 = arith.cmpi ne, %convert_element_type3A_18, %cond3A_19 : i32
    scf.if %cond3A_20 {
      %get3A_21 = arith.constant 0 : index
      %get3A_22 = arith.constant 0 : index
      %get3A_23 = vector.load %arg3[%get3A_21, %get3A_22] : memref<10000x128xf32, #tpu.memory_space<vmem>>, vector<10000x128xf32>
      %get3A_24 = arith.constant 0 : index
      %get3A_25 = arith.constant 0 : index
      %get3A_26 = vector.load %arg4[%get3A_24, %get3A_25] : memref<128x1xf32, #tpu.memory_space<vmem>>, vector<128x1xf32>
      %dot_general3A_27 = arith.constant dense<0.000000e+00> : vector<10000x1xf32>
      %dot_general3A_28 = tpu.matmul %get3A_23, %get3A_26, %dot_general3A_27 {dimension_numbers = #tpu.dot_dimension_numbers<[1], [0], [0], [1], [0, 0, 1, 1], [], []>, transpose_lhs_hint = false} : vector<10000x128xf32>, vector<128x1xf32>, vector<10000x1xf32> -> vector<10000x1xf32>
      %swap3A_29 = arith.constant 0 : index
      %swap3A_30 = arith.constant 0 : index
      %swap3A_31 = vector.load %arg7[%swap3A_29, %swap3A_30] : memref<10240x1xf32, #tpu.memory_space<vmem>>, vector<10000x1xf32>
      tpu.vector_store %arg7[%swap3A_29, %swap3A_30], %dot_general3A_28 {strides = array<i32>} : memref<10240x1xf32, #tpu.memory_space<vmem>>, vector<10000x1xf32>,
      %broadcast_in_dim3A = arith.constant 0.000000e+00 : f32
      %broadcast_in_dim3A_32 = vector.broadcast %broadcast_in_dim3A : f32 to vector<240x1xf32>
      %swap3A_33 = arith.constant 10000 : index
      %swap3A_34 = arith.constant 0 : index
      %swap3A_35 = vector.load %arg7[%swap3A_33, %swap3A_34] : memref<10240x1xf32, #tpu.memory_space<vmem>>, vector<240x1xf32>
      tpu.vector_store %arg7[%swap3A_33, %swap3A_34], %broadcast_in_dim3A_32 {strides = array<i32>} : memref<10240x1xf32, #tpu.memory_space<vmem>>, vector<240x1xf32>,
    } else {
    }
    return
  }
  func.func @transform_0(%arg0: i32) -> (i32, i32) {
    %c0_i32 = arith.constant 0 : i32
    %c0_i32_0 = arith.constant 0 : i32
    return %c0_i32, %arg0 : i32, i32
  }
  func.func @transform_1(%arg0: i32) -> (i32, i32) {
    %c0_i32 = arith.constant 0 : i32
    %c0_i32_0 = arith.constant 0 : i32
    %c0_i32_1 = arith.constant 0 : i32
    return %c0_i32, %c0_i32_0 : i32, i32
  }
  func.func @transform_2(%arg0: i32) -> (i32, i32) {
    %c0_i32 = arith.constant 0 : i32
    %c0_i32_0 = arith.constant 0 : i32
    %c0_i32_1 = arith.constant 0 : i32
    return %c0_i32, %c0_i32_0 : i32, i32
  }
  func.func @transform_3(%arg0: i32) -> (i32, i32) {
    %c0_i32 = arith.constant 0 : i32
    %c0_i32_0 = arith.constant 0 : i32
    %c0_i32_1 = arith.constant 0 : i32
    return %c0_i32, %c0_i32_0 : i32, i32
  }
  func.func @transform_4(%arg0: i32) -> (i32, i32) {
    %c0_i32 = arith.constant 0 : i32
    %c0_i32_0 = arith.constant 0 : i32
    return %c0_i32, %arg0 : i32, i32
  }
  func.func @transform_5(%arg0: i32) -> (i32, i32) {
    %c0_i32 = arith.constant 0 : i32
    %c0_i32_0 = arith.constant 0 : i32
    return %c0_i32, %arg0 : i32, i32
  }
  func.func @transform_6(%arg0: i32) -> (i32, i32) {
    %c0_i32 = arith.constant 0 : i32
    %c0_i32_0 = arith.constant 0 : i32
    %c0_i32_1 = arith.constant 0 : i32
    return %c0_i32, %c0_i32_0 : i32, i32
  }
  func.func @transform_7(%arg0: i32) -> (i32, i32) {
    %c0_i32 = arith.constant 0 : i32
    %c0_i32_0 = arith.constant 0 : i32
    return %c0_i32, %arg0 : i32, i32
  }
}

module attributes {stable_mosaic.version = 14 : i64} {
  func.func @_scale_body(%arg0: i32, %arg1: memref<16x20480xf32, #tpu.memory_space<vmem>>, %arg2: memref<16x16xf32, #tpu.memory_space<vmem>>, %arg3: memref<20480xf32, #tpu.memory_space<vmem>>, %arg4: memref<16x20480xf32, #tpu.memory_space<vmem>>) attributes {dimension_semantics = [#tpu.dimension_semantics<arbitrary>], iteration_bounds = array<i64: 16>, scalar_prefetch = 0 : i64, scratch_operands = 0 : i64, tpu.core_type = #tpu.core_type<tc>, window_params = [{transform_indices = @transform_0, window_bounds = array<i64: 16, 20480>}, {pipeline_mode = #tpu.pipeline_mode<synchronous>, transform_indices = @transform_1, window_bounds = array<i64: 16, 16>}, {transform_indices = @transform_2, window_bounds = array<i64: 20480>}, {transform_indices = @transform_3, window_bounds = array<i64: 16, 20480>}]} {
    %get3A = arith.constant 0 : index
    %get3A_0 = arith.constant 0 : index
    %get3A_1 = vector.load %arg2[%get3A, %get3A_0] : memref<16x16xf32, #tpu.memory_space<vmem>>, vector<16x16xf32>
    %get3A_2 = arith.constant 0 : index
    %get3A_3 = arith.constant 0 : index
    %get3A_4 = vector.load %arg1[%get3A_2, %get3A_3] : memref<16x20480xf32, #tpu.memory_space<vmem>>, vector<16x20480xf32>
    %dot_general3A = arith.constant dense<0.000000e+00> : vector<16x20480xf32>
    %dot_general3A_5 = tpu.matmul %get3A_1, %get3A_4, %dot_general3A {dimension_numbers = #tpu.dot_dimension_numbers<[1], [0], [0], [1], [0, 0, 1, 1], [], []>, transpose_lhs_hint = false} : vector<16x16xf32>, vector<16x20480xf32>, vector<16x20480xf32> -> vector<16x20480xf32>
    %get3A_6 = arith.constant 0 : index
    %get3A_7 = vector.load %arg3[%get3A_6] : memref<20480xf32, #tpu.memory_space<vmem>>, vector<20480xf32>
    %broadcast_in_dim3A = vector.shape_cast %get3A_7 : vector<20480xf32> to vector<1x20480xf32>
    %mul3A = vector.broadcast %broadcast_in_dim3A : vector<1x20480xf32> to vector<16x20480xf32>
    %mul3A_8 = arith.mulf %dot_general3A_5, %mul3A : vector<16x20480xf32>
    %swap3A = arith.constant 0 : index
    %swap3A_9 = arith.constant 0 : index
    %swap3A_10 = vector.load %arg4[%swap3A, %swap3A_9] : memref<16x20480xf32, #tpu.memory_space<vmem>>, vector<16x20480xf32>
    tpu.vector_store %arg4[%swap3A, %swap3A_9], %mul3A_8 {strides = array<i32>} : memref<16x20480xf32, #tpu.memory_space<vmem>>, vector<16x20480xf32>,
    return
  }
  func.func @transform_0(%arg0: i32) -> (i32, i32) {
    %c0_i32 = arith.constant 0 : i32
    %c0_i32_0 = arith.constant 0 : i32
    return %c0_i32, %arg0 : i32, i32
  }
  func.func @transform_1(%arg0: i32) -> (i32, i32) {
    %c0_i32 = arith.constant 0 : i32
    %c0_i32_0 = arith.constant 0 : i32
    %c0_i32_1 = arith.constant 0 : i32
    return %c0_i32, %c0_i32_0 : i32, i32
  }
  func.func @transform_2(%arg0: i32) -> i32 {
    %c0_i32 = arith.constant 0 : i32
    return %arg0 : i32
  }
  func.func @transform_3(%arg0: i32) -> (i32, i32) {
    %c0_i32 = arith.constant 0 : i32
    %c0_i32_0 = arith.constant 0 : i32
    return %c0_i32, %arg0 : i32, i32
  }
}

</mosaic_0001>

<sc_bundles>
// kernel: kernel.5.cloned.1.call-start
scs
__scs_entry_jumppad:
0x0: {  	(pc) =	sbr.rel $0x88, $3  }
0x1: {  	(tag) =	ssettag $0x0;
	lr =	simm.s32 $0x1  }
0x2: {  	[smem:$0x3F9C] =	sst lr;
	_ =	strace $0xD0000000  }
0x3: {  	_ = 	snop  }
0x4: {  	_ = 	snop  }
0x5: {  	_ = 	snop  }
0x6: {  	_ = 	snop  }
0x7: {  	_ = 	snop  }
__scs_overlays_trampoline_lowered:
0x8: {  	[smem:$0x3FAB] =	sst s0  }
0x9: {  	[smem:$0x3FAC] =	sst s1  }
0xa: {  	[smem:$0x3FAD] =	sst s2  }
0xb: {  	[smem:$0x3FAE] =	sst s3  }
0xc: {  	[smem:$0x3FAF] =	sst s4  }
0xd: {  	[smem:$0x3FB0] =	sst s5  }
0xe: {  	[smem:$0x3FB1] =	sst s6  }
0xf: {  	[smem:$0x3FB2] =	sst s7  }
0x10: {  	[smem:$0x3FB3] =	sst s8  }
0x11: {  	[smem:$0x3FB4] =	sst s9;
	s0 =	simm.s32 @!p0 $0x0  }
0x12: {  	s1 =	sld [smem:$0x3F9A];
	s0 =	simm.s32 @p0 $0x1  }
0x13: {  	[smem:$0x3FB5] =	sst s0;
	s0 =	simm.s32 @!p1 $0x0  }
0x14: {  	s2 =	sld [smem:$0x3F99];
	s0 =	simm.s32 @p1 $0x1  }
0x15: {  	[smem:$0x3FB6] =	sst s0;
	s0 =	simm.s32 @!p2 $0x0  }
0x16: {  	s3 =	sld [smem:$0x3FDB];
	s0 =	simm.s32 @p2 $0x1  }
0x17: {  	s4 =	simm.s32 $0x1BF5;
	[smem:$0x3FB8] =	sst s0  }
0x18: {  	s0 =	sld [smem:$0x3F9B];
	_ =	swait.ge [sflag:s4], $0x0  }
0x19: {  	s7 =	sld [smem:$0x3F9C]  }
0x1a: {  	s8 =	sadd.s32 $0xFFFFE003, lr  }
0x1b: {  	s9 =	sadd.s32 $0xFFFFFEF7, lr;
	s5 =	simm.s32 $0xFFFFFFFF;
	p2 =	slt.u32 s8, $0xFFFFF086  }
0x1c: {  	p1 =	slt.u32 s9, $0xF7A;
	s5 =	simm.s32 @!p2 $0x0  }
0x1d: {  	s5 =	simm.s32 @p1 $0x1;
	p0 =	seq.s32 s7, s2  }
0x1e: {  	s7 =	smul.u32 @!p0 $0xF7A, s2;
	p2 =	seq.s32 @!p0 s5, $0x0  }
0x1f: {  	s9 =	smul.u32 $0xF7A, s1;
	s8 =	simm.s32 @!p0 $0x1BF5;
	p2 =	por !p2, p0  }
0x20: {  	[sflag:s8] =	ssyncset.s32 @!p0 $0xFFFFF086;
	s6 =	sadd.s32 @!p0 s3, s7;
	s7 =	simm.s32 @!p0 $0x108  }
0x21: {  	s3 =	sadd.s32 s3, s9;
	s6 =	sadd.s32 @!p0 $0x88, s6;
	s7 =	simm.s32 @p2 $0x1082  }
0x22: {  	[simem:s7], [sflag:s8] =	dma.local @!p0 [hbm:s6], $0xF7A  }
0x23: {  	s9 =	sor.u32 $0xD0000000, s2;
	s6 =	simm.s32 $0x108;
	_ =	swait.ge @!p0 [sflag:s8], $0x0  }
0x24: {  	s3 =	sadd.s32 $0x88, s3;
	s6 =	simm.s32 @!p1 $0x1082;
	[sflag:s4] =	ssyncset.s32 $0xFFFFF086  }
0x25: {  	[simem:s6], [sflag:s4] =	dma.local [hbm:s3], $0xF7A  }
0x26: {  	[smem:$0x3F9C] =	sst s1;
	(tag) =	ssettag s2;
	_ =	strace s9  }
0x27: {  	s1 =	sld [smem:$0x3FAC]  }
0x28: {  	s2 =	sld [smem:$0x3FAD]  }
0x29: {  	s4 =	sld [smem:$0x3FAF]  }
0x2a: {  	p0 =	seq.s32 s5, $0x0;
	s5 =	sld [smem:$0x3FB0]  }
0x2b: {  	s6 =	sld [smem:$0x3FB1]  }
0x2c: {  	s7 =	sld [smem:$0x3FB2]  }
0x2d: {  	s3 =	simm.s32 $0x108;
	s8 =	sld [smem:$0x3FB3]  }
0x2e: {  	s3 =	simm.s32 @!p0 $0x1082;
	s9 =	sld [smem:$0x3FB4]  }
0x2f: {  	lr =	sadd.s32 s0, s3;
	s0 =	sld [smem:$0x3FAB]  }
0x30: {  	s3 =	sld [smem:$0x3FAE]  }
0x31: {  	[smem:$0x3FB7] =	sst s10  }
0x32: {  	s10 =	sld [smem:$0x3FB5];
	_ =	sdelay $0x3  }
0x33: {  	p0 =	seq.s32 s10, $0x1;
	s10 =	sld [smem:$0x3FB7];
	_ =	sdelay $0x3  }
0x34: {  	[smem:$0x3FB7] =	sst s10  }
0x35: {  	s10 =	sld [smem:$0x3FB6];
	_ =	sdelay $0x3  }
0x36: {  	p1 =	seq.s32 s10, $0x1;
	s10 =	sld [smem:$0x3FB7];
	_ =	sdelay $0x3  }
0x37: {  	[smem:$0x3FB7] =	sst s10  }
0x38: {  	s10 =	sld [smem:$0x3FB8]  }
0x39: {  	_ = 	snop;
	(pc) =	sbr.ind lr, $3  }
0x3a: {  	_ = 	snop  }
0x3b: {  	_ = 	snop  }
0x3c: {  	p2 =	seq.s32 s10, $0x1;
	s10 =	sld [smem:$0x3FB7]  }
0x3d: {  	_ =	shalt  }
0x3e: {  	_ =	shalt  }
0x3f: {  	_ =	shalt  }
0x40: {  	_ =	shalt  }
0x41: {  	_ =	shalt  }
0x42: {  	_ =	shalt  }
0x43: {  	_ =	shalt  }
0x44: {  	_ =	shalt  }
0x45: {  	_ =	shalt  }
0x46: {  	_ =	shalt  }
0x47: {  	_ =	shalt  }
0x48: {  	_ =	shalt  }
0x49: {  	_ =	shalt  }
0x4a: {  	_ =	shalt  }
0x4b: {  	_ =	shalt  }
0x4c: {  	_ =	shalt  }
0x4d: {  	_ =	shalt  }
0x4e: {  	_ =	shalt  }
0x4f: {  	_ =	shalt  }
0x50: {  	_ =	shalt  }
0x51: {  	_ =	shalt  }
0x52: {  	_ =	shalt  }
0x53: {  	_ =	shalt  }
0x54: {  	_ =	shalt  }
0x55: {  	_ =	shalt  }
0x56: {  	_ =	shalt  }
0x57: {  	_ =	shalt  }
0x58: {  	_ =	shalt  }
0x59: {  	_ =	shalt  }
0x5a: {  	_ =	shalt  }
0x5b: {  	_ =	shalt  }
0x5c: {  	_ =	shalt  }
0x5d: {  	_ =	shalt  }
0x5e: {  	_ =	shalt  }
0x5f: {  	_ =	shalt  }
0x60: {  	_ =	shalt  }
0x61: {  	_ =	shalt  }
0x62: {  	_ =	shalt  }
0x63: {  	_ =	shalt  }
0x64: {  	_ =	shalt  }
0x65: {  	_ =	shalt  }
0x66: {  	_ =	shalt  }
0x67: {  	_ =	shalt  }
0x68: {  	_ =	shalt  }
0x69: {  	_ =	shalt  }
0x6a: {  	_ =	shalt  }
0x6b: {  	_ =	shalt  }
0x6c: {  	_ =	shalt  }
0x6d: {  	_ =	shalt  }
0x6e: {  	_ =	shalt  }
0x6f: {  	_ =	shalt  }
0x70: {  	_ =	shalt  }
0x71: {  	_ =	shalt  }
0x72: {  	_ =	shalt  }
0x73: {  	_ =	shalt  }
0x74: {  	_ =	shalt  }
0x75: {  	_ =	shalt  }
0x76: {  	_ =	shalt  }
0x77: {  	_ =	shalt  }
0x78: {  	_ =	shalt  }
0x79: {  	_ =	shalt  }
0x7a: {  	_ =	shalt  }
0x7b: {  	_ =	shalt  }
0x7c: {  	_ =	shalt  }
0x7d: {  	_ =	shalt  }
0x7e: {  	_ =	shalt  }
0x7f: {  	_ =	shalt  }
0x80: {  	_ =	shalt  }
0x81: {  	_ =	shalt  }
0x82: {  	_ =	shalt  }
0x83: {  	_ =	shalt  }
0x84: {  	_ =	shalt  }
0x85: {  	_ =	shalt  }
0x86: {  	_ =	shalt  }
0x87: {  	_ =	shalt  }
.Lfunc_end0:
.L_simem_size_0:
called_computation_lowered:
.L_overlay_start_0:
0x88: {  	s2 =	sld [smem:$0x3FD9]  }
0x89: {  	s3 =	sld [smem:$0x3FFE];
	_ =	sdelay $0x1  }
0x8a: {  	s1 =	srdreg.scid  }
0x8b: {  	s0 =	sand.u32 $0x1, s1  }
0x8c: {  	s14 =	sshll.u32 s0, $0xA;
	s2 =	sadd.s32 s3, s2  }
0x8d: {  	s2 =	sadd.s32 s2, s14  }
0x8e: {  	[smem:$0x3FC3] =	sst s2  }
0x8f: {  	_ = 	snop  }
0x90: {  	s2 =	sld [smem:$0x3FD0];
	_ =	sdelay $0x2  }
0x91: {  	s15 =	simm.s32 $0xA;
	s4 =	simm.s32 $0x10  }
0x92: {  	[smem:s4], [sflag:s15] =	dma.local [hbm:s2], $0x1  }
0x93: {  	_ =	swait.eq [sflag:s15], $0x1  }
0x94: {  	[sflag:s15] =	ssyncset.done $0x0  }
0x95: {  	s16 =	sld [smem:$0x10];
	[sflag:s15] =	ssyncadd.s32 $0xFFFFFFFF  }
0x96: {  	s17 =	sld [smem:$0x11];
	(tm) =	ssettm $0x1  }
0x97: {  	s18 =	sld [smem:$0x3FFB];
	_ =	sdelay $0x3  }
0x98: {  	_ =	strace s18  }
0x99: {  	s4 =	sld [smem:$0x3FFC];
	_ =	sdelay $0x3  }
0x9a: {  	_ =	strace s4  }
0x9b: {  	s4 =	sld [smem:$0x3FFD];
	_ =	sdelay $0x3  }
0x9c: {  	_ =	strace s4  }
0x9d: {  	_ =	strace $0x8FFFFFFF  }
0x9e: {  	s19 =	sld [smem:$0x3FDB];
	_ =	sdelay $0x1  }
0x9f: {  	s5 =	simm.s32 $_scs_section_size  }
0xa0: {  	s6 =	simm.s32 $_size__tile_overlayer_lowered;
	s7 =	simm.s32 $_tile_overlayer_lowered  }
0xa1: {  	s22 =	simm.s32 $0x1BFF;
	s21 =	sshll.u32 s7, $0x1;
	s4 =	sadd.s32 s5, s19  }
0xa2: {  	s8 =	simm.s32 $0x0;
	s20 =	sshll.u32 s6, $0x1;
	s6 =	sadd.s32 s21, s4  }
0xa3: {  	[timem:s8], [sflag:s22] =	dma.local [hbm:s6], s20  }
0xa4: {  	_ =	swait.ge [sflag:s22], s20  }
0xa5: {  	s5 =	ssub.s32 $0x0, s20;
	[sflag:s22] =	ssyncset.done $0x0  }
0xa6: {  	[sflag:s22] =	ssyncadd.s32 s5;
	_ =	sdelay $0x1  }
0xa7: {  	s23 =	simm.s32 $0x1B8B  }
0xa8: {  	_ =	swait.ge [sflag:s23], $0x1  }
0xa9: {  	[sflag:s23] =	ssyncset.done $0x0  }
0xaa: {  	s25 =	simm.s32 $0x1B8E;
	s24 =	sld [smem:$0x3FFE];
	[sflag:s23] =	ssyncadd.s32 $0xFFFFFFFF  }
0xab: {  	s26 =	simm.s32 $execute0_lowered;
	[smem:$0x3FD2] =	sst s25  }
0xac: {  	s6 =	sshll.u32 s26, $0x1;
	_ =	strace $0x80000046;
	[dreg:$0x1] =	wrdreg $0xFFFFFFFF  }
0xad: {  	s28 =	simm.s32 $_size_execute0_lowered;
	s4 =	sadd.s32 s4, s6;
	[dreg:$0x0] =	wrdreg $0x0  }
0xae: {  	s6 =	sshll.u32 s28, $0x1;
	[dreg:$0x2] =	wrdreg s4  }
0xaf: {  	[dreg:$0x3] =	wrdreg s6  }
0xb0: {  	[dreg:$0x4] =	wrdreg $0xC0  }
0xb1: {  	_ =	task [dreg:s8], $0x5FFFF  }
0xb2: {  	[dreg:$0x1] =	wrdreg $0xFFFFFFFF  }
0xb3: {  	[dreg:$0x0] =	wrdreg $0x60  }
0xb4: {  	[dreg:$0x2] =	wrdreg s16  }
0xb5: {  	[dreg:$0x3] =	wrdreg s17  }
0xb6: {  	[dreg:$0x4] =	wrdreg s24  }
0xb7: {  	[dreg:$0x5] =	wrdreg $0xF2800  }
0xb8: {  	[dreg:$0x6] =	wrdreg $0x9  }
0xb9: {  	_ =	task.clear_ibuf [dreg:s8], $0x7FFFF;
	_ =	strace $0x90000046  }
0xba: {  	s29 =	simm.s32 $0x9;
	_ =	strace $0x8000004F  }
0xbb: {  	_ =	swait.ge [sflag:s29], $0x1  }
0xbc: {  	[sflag:s29] =	ssyncadd.s32 $0xFFFFFFFF  }
0xbd: {  	_ =	strace $0x9000004F  }
0xbe: {  	_ =	sfence  }
0xbf: {  	s30 =	sld [smem:$0x0];
	_ =	sdelay $0x2  }
0xc0: {  	s31 =	sshll.u32 s1, $0xD;
	s1 =	sshrl.u32 s1, $0x2  }
0xc1: {  	s3 =	sand.u32 $0x4000, s31;
	s1 =	sadd.s32 s1, s30  }
0xc2: {  	s0 =	sor.u32 s3, s0;
	s1 =	sshll.u32 s1, $0x11  }
0xc3: {  	s0 =	sor.u32 s1, s0  }
0xc4: {  	s0 =	sadd.s32 $0x8F2B, s0  }
0xc5: {  	[sflag:s0] =	ssyncadd.remote.s32 $0x1  }
0xc6: {  	_ =	sfence.sel $0xFFFF  }
0xc7: {  	[dreg:$0x0] =	wrdreg $0xFFFFFFFF;
	(pc) =	sbr.abs _section_cstart, $3  }
0xc8: {  	[dreg:$0x1] =	wrdreg $0xFFFFFFFF  }
0xc9: {  	_ =	task.clear_ibuf [dreg:s8], $0x2FFFF;
	_ =	strace $0x9FFFFFFF  }
0xca: {  	(tm) =	ssettm $0x7FFFFFFF  }
0xcb: {  	_ =	shalt  }
tec
execute0_lowered:
.L_overlay_start_1:
0x0: {  	(tag) =	ssettag $0x1  }
0x1: {  	s5 =	rddreg [dreg:$0x0]  }
0x2: {  	s6 =	rddreg [dreg:$0x1]  }
0x3: {  	s7 =	rddreg [dreg:$0x2]  }
0x4: {  	s2 =	rddreg [dreg:$0x3]  }
0x5: {  	s0 =	rddreg [dreg:$0x4]  }
0x6: {  	s4 =	srdreg.scid;
	s1 =	stileid.u32  }
0x7: {  	s3 =	simm.s32 $0x0;
	s13 =	simm.s32 $0xF000;
	s8 =	sand.u32 $0x1, s4  }
0x8: {  	s14 =	simm.s32 $0x80;
	s15 =	simm.s32 $0x1;
	s10 =	smul.u32 $0x500, s8  }
0x9: {  	s16 =	simm.s32 $0xC800;
	s11 =	ssub.s32 $0x2, s8;
	s8 =	smul.u32 $0xA000, s8  }
0xa: {  	s9 =	smul.u32 $0xA00, s1;
	[smem:$0x7FF] =	sst s3;
	s4 =	sadd.s32 $0x1800, s7  }
0xb: {  	_ =	strace $0x80000047;
	s30 =	sshrl.u32 s11, $0x1;
	s12 =	sshrl.u32 s8, $0x2  }
0xc: {  	s5 =	sadd.s32 s5, s9;
	s31 =	sshrl.u32 s9, $0x2;
	s17 =	sor.u32 $0x40, s12  }
0xd: {  	s6 =	sadd.s32 s6, s9;
	s10 =	sadd.s32 s10, s9;
	s11 =	ssub.s32 s11, s30;
	v1 =	vmov s17  }
0xe: {  	s10 =	sadd.s32 s10, s7;
	s7 =	sadd.s32 s31, s2;
	s8 =	sadd.s32 $0x5000, s12  }
0xf: {  	s18 =	sadd.s32 $0x5070, s12;
	s12 =	simm.s32 $0xA000;
	s9 =	sadd.s32 $0x1E00, s10  }
0x10: {  	v0 =	vimm.f32 $0.0e+00;
	s10 =	smax.u32 s11, $0x1;
	s11 =	simm.s32 $0x2;
	v2 =	vmov s18;
	s17 =	simm.s32 $0x0  }
.LBB2_1:
0x11: {  	_ =	strace $0x80000048  }
0x12: {  	[tilespmem:s3], [sflag:$0x2] =	stream.linear.gather [hbm4b:s5+s3], $0x5000, $0x200038;
	[tilespmem:$0xF500] =	vst v63  }
0x13: {  	_ =	swait.ge [sflag:s11], $0x5000  }
0x14: {  	[sflag:s11] =	ssyncset.done $0x0  }
0x15: {  	s18 =	simm.s32 $0x5000;
	[sflag:s11] =	ssyncadd.s32 $0xFFFFB000  }
0x16: {  	[tilespmem:s18], [sflag:$0x2] =	stream.linear.gather [hbm4b:s6+s3], $0x5000, $0x200038;
	[tilespmem:$0xF500] =	vst v63  }
0x17: {  	_ =	swait.ge [sflag:s11], $0x5000  }
0x18: {  	[sflag:s11] =	ssyncset.done $0x0  }
0x19: {  	[sflag:s11] =	ssyncadd.s32 $0xFFFFB000  }
0x1a: {  	[tilespmem:s12], [sflag:$0x2] =	stream.linear.gather [hbm4b:s4+s3], $0x2800, $0x200038;
	[tilespmem:$0xF500] =	vst v63  }
0x1b: {  	_ =	swait.ge [sflag:s11], $0x2800  }
0x1c: {  	[sflag:s11] =	ssyncset.done $0x0  }
0x1d: {  	[sflag:s11] =	ssyncadd.s32 $0xFFFFD800  }
0x1e: {  	_ =	strace $0x90000048  }
0x1f: {  	_ =	strace $0x80000049;
	[tilespmem:$0xF000] =	vst v0  }
0x20: {  	[tilespmem:$0xF010] =	vst v0  }
0x21: {  	[tilespmem:$0xF020] =	vst v0  }
0x22: {  	[tilespmem:$0xF030] =	vst v0  }
0x23: {  	[tilespmem:$0xF040] =	vst v0  }
0x24: {  	[tilespmem:$0xF050] =	vst v0  }
0x25: {  	[tilespmem:$0xF060] =	vst v0  }
0x26: {  	[tilespmem:$0xF070] =	vst v0  }
0x27: {  	[tilespmem:$0xF080] =	vst v0  }
0x28: {  	[tilespmem:$0xF090] =	vst v0  }
0x29: {  	[tilespmem:$0xF0A0] =	vst v0  }
0x2a: {  	[tilespmem:$0xF0B0] =	vst v0  }
0x2b: {  	[tilespmem:$0xF0C0] =	vst v0  }
0x2c: {  	[tilespmem:$0xF0D0] =	vst v0  }
0x2d: {  	[tilespmem:$0xF0E0] =	vst v0  }
0x2e: {  	[tilespmem:$0xF0F0] =	vst v0  }
0x2f: {  	[tilespmem:$0xF100] =	vst v0  }
0x30: {  	[tilespmem:$0xF110] =	vst v0  }
0x31: {  	[tilespmem:$0xF120] =	vst v0  }
0x32: {  	[tilespmem:$0xF130] =	vst v0  }
0x33: {  	[tilespmem:$0xF140] =	vst v0  }
0x34: {  	[tilespmem:$0xF150] =	vst v0  }
0x35: {  	[tilespmem:$0xF160] =	vst v0  }
0x36: {  	[tilespmem:$0xF170] =	vst v0  }
0x37: {  	[tilespmem:$0xF180] =	vst v0  }
0x38: {  	[tilespmem:$0xF190] =	vst v0  }
0x39: {  	[tilespmem:$0xF1A0] =	vst v0  }
0x3a: {  	[tilespmem:$0xF1B0] =	vst v0  }
0x3b: {  	[tilespmem:$0xF1C0] =	vst v0  }
0x3c: {  	[tilespmem:$0xF1D0] =	vst v0  }
0x3d: {  	[tilespmem:$0xF1E0] =	vst v0  }
0x3e: {  	[tilespmem:$0xF1F0] =	vst v0  }
0x3f: {  	[tilespmem:$0xF200] =	vst v0  }
0x40: {  	[tilespmem:$0xF210] =	vst v0  }
0x41: {  	[tilespmem:$0xF220] =	vst v0  }
0x42: {  	[tilespmem:$0xF230] =	vst v0  }
0x43: {  	[tilespmem:$0xF240] =	vst v0  }
0x44: {  	[tilespmem:$0xF250] =	vst v0  }
0x45: {  	[tilespmem:$0xF260] =	vst v0  }
0x46: {  	[tilespmem:$0xF270] =	vst v0  }
0x47: {  	[spmem:s7] =	stream.linear.scatter [tilespmem:s13], [sflag:$0x2], $0x280, $0x200038;
	[tilespmem:$0xF500] =	vst v63  }
0x48: {  	_ =	swait.ge [sflag:s11], $0x280  }
0x49: {  	[sflag:s11] =	ssyncset.done $0x0  }
0x4a: {  	[sflag:s11] =	ssyncadd.s32 $0xFFFFFD80  }
0x4b: {  	[bflag:$0x0] =	sbarrier.arrive $0xFFFF  }
0x4c: {  	_ =	strace $0x90000049  }
0x4d: {  	s19 =	simm.s32 $0x0;
	s20 =	simm.s32 $0x0;
	_ =	strace $0x8000004A  }
.LBB2_2:
0x4e: {  	v3 =	vld [tilespmem:s19+$0x0];
	_ =	sdelay $0x6  }
0x4f: {  	v4 =	vld [tilespmem:s18+$0x0]  }
0x50: {  	v3 =	vld.idx.msk [tilespmem:v3+s12+$0x0], $0xffff;
	_ =	sdelay $0x4  }
0x51: {  	v3 =	vadd.f32 v3, v4;
	_ =	sdelay $0x1  }
0x52: {  	v4 =	vmul.f32 $9.999999770e-03, v3  }
0x53: {  	vm0 =	vge.f32 v3, $0.0e+00  }
0x54: {  	v3 =	vsel vm0, v3, v4  }
0x55: {  	v3 =	vmul.f32 $1.442695020e+00, v3;
	_ =	sdelay $0x1  }
0x56: {  	(erf) = vpow2.f32 v3;
	_ =	sdelay $0x8  }
0x57: {  	v3 =	vpop (erf)  }
0x58: {  	[tilespmem:s18+$0x0] =	vst v3  }
0x59: {  	v3 =	vld [tilespmem:s19+$0x10];
	_ =	sdelay $0x6  }
0x5a: {  	v57 =	vld [tilespmem:s18+$0x10]  }
0x5b: {  	v3 =	vld.idx.msk [tilespmem:v3+s12+$0x0], $0xffff;
	_ =	sdelay $0x4  }
0x5c: {  	v3 =	vadd.f32 v3, v57;
	_ =	sdelay $0x1  }
0x5d: {  	v4 =	vmul.f32 $9.999999770e-03, v3  }
0x5e: {  	vm9 =	vge.f32 v3, $0.0e+00  }
0x5f: {  	v3 =	vsel vm9, v3, v4  }
0x60: {  	v3 =	vmul.f32 $1.442695020e+00, v3;
	_ =	sdelay $0x1  }
0x61: {  	(erf) = vpow2.f32 v3;
	_ =	sdelay $0x8  }
0x62: {  	v3 =	vpop (erf)  }
0x63: {  	[tilespmem:s18+$0x10] =	vst v3  }
0x64: {  	v3 =	vld [tilespmem:s19+$0x20];
	_ =	sdelay $0x6  }
0x65: {  	v58 =	vld [tilespmem:s18+$0x20]  }
0x66: {  	v3 =	vld.idx.msk [tilespmem:v3+s12+$0x0], $0xffff;
	_ =	sdelay $0x4  }
0x67: {  	v3 =	vadd.f32 v3, v58;
	_ =	sdelay $0x1  }
0x68: {  	v4 =	vmul.f32 $9.999999770e-03, v3  }
0x69: {  	vm10 =	vge.f32 v3, $0.0e+00  }
0x6a: {  	v3 =	vsel vm10, v3, v4  }
0x6b: {  	v3 =	vmul.f32 $1.442695020e+00, v3;
	_ =	sdelay $0x1  }
0x6c: {  	(erf) = vpow2.f32 v3;
	_ =	sdelay $0x8  }
0x6d: {  	v3 =	vpop (erf)  }
0x6e: {  	[tilespmem:s18+$0x20] =	vst v3  }
0x6f: {  	v3 =	vld [tilespmem:s19+$0x30];
	_ =	sdelay $0x6  }
0x70: {  	v59 =	vld [tilespmem:s18+$0x30]  }
0x71: {  	v3 =	vld.idx.msk [tilespmem:v3+s12+$0x0], $0xffff;
	_ =	sdelay $0x4  }
0x72: {  	v3 =	vadd.f32 v3, v59;
	_ =	sdelay $0x1  }
0x73: {  	v4 =	vmul.f32 $9.999999770e-03, v3  }
0x74: {  	vm11 =	vge.f32 v3, $0.0e+00  }
0x75: {  	v3 =	vsel vm11, v3, v4  }
0x76: {  	v3 =	vmul.f32 $1.442695020e+00, v3;
	_ =	sdelay $0x1  }
0x77: {  	(erf) = vpow2.f32 v3;
	_ =	sdelay $0x8  }
0x78: {  	v3 =	vpop (erf)  }
0x79: {  	[tilespmem:s18+$0x30] =	vst v3  }
0x7a: {  	v3 =	vld [tilespmem:s19+$0x40];
	_ =	sdelay $0x6  }
0x7b: {  	v60 =	vld [tilespmem:s18+$0x40]  }
0x7c: {  	v3 =	vld.idx.msk [tilespmem:v3+s12+$0x0], $0xffff;
	_ =	sdelay $0x4  }
0x7d: {  	v3 =	vadd.f32 v3, v60;
	_ =	sdelay $0x1  }
0x7e: {  	v4 =	vmul.f32 $9.999999770e-03, v3  }
0x7f: {  	vm12 =	vge.f32 v3, $0.0e+00  }
0x80: {  	v3 =	vsel vm12, v3, v4  }
0x81: {  	v3 =	vmul.f32 $1.442695020e+00, v3;
	_ =	sdelay $0x1  }
0x82: {  	(erf) = vpow2.f32 v3;
	_ =	sdelay $0x8  }
0x83: {  	v3 =	vpop (erf)  }
0x84: {  	[tilespmem:s18+$0x40] =	vst v3  }
0x85: {  	v3 =	vld [tilespmem:s19+$0x50];
	_ =	sdelay $0x6  }
0x86: {  	v61 =	vld [tilespmem:s18+$0x50]  }
0x87: {  	v3 =	vld.idx.msk [tilespmem:v3+s12+$0x0], $0xffff;
	_ =	sdelay $0x4  }
0x88: {  	v3 =	vadd.f32 v3, v61;
	_ =	sdelay $0x1  }
0x89: {  	v4 =	vmul.f32 $9.999999770e-03, v3  }
0x8a: {  	vm13 =	vge.f32 v3, $0.0e+00  }
0x8b: {  	v3 =	vsel vm13, v3, v4  }
0x8c: {  	v3 =	vmul.f32 $1.442695020e+00, v3;
	_ =	sdelay $0x1  }
0x8d: {  	(erf) = vpow2.f32 v3;
	_ =	sdelay $0x8  }
0x8e: {  	v3 =	vpop (erf)  }
0x8f: {  	[tilespmem:s18+$0x50] =	vst v3  }
0x90: {  	v3 =	vld [tilespmem:s19+$0x60];
	_ =	sdelay $0x6  }
0x91: {  	v62 =	vld [tilespmem:s18+$0x60]  }
0x92: {  	v3 =	vld.idx.msk [tilespmem:v3+s12+$0x0], $0xffff;
	_ =	sdelay $0x4  }
0x93: {  	v3 =	vadd.f32 v3, v62;
	_ =	sdelay $0x1  }
0x94: {  	v4 =	vmul.f32 $9.999999770e-03, v3  }
0x95: {  	vm14 =	vge.f32 v3, $0.0e+00  }
0x96: {  	v3 =	vsel vm14, v3, v4  }
0x97: {  	v3 =	vmul.f32 $1.442695020e+00, v3;
	_ =	sdelay $0x1  }
0x98: {  	(erf) = vpow2.f32 v3;
	_ =	sdelay $0x8  }
0x99: {  	v3 =	vpop (erf)  }
0x9a: {  	[tilespmem:s18+$0x60] =	vst v3  }
0x9b: {  	v3 =	vld [tilespmem:s19+$0x70];
	_ =	sdelay $0x6  }
0x9c: {  	v63 =	vld [tilespmem:s18+$0x70]  }
0x9d: {  	v3 =	vld.idx.msk [tilespmem:v3+s12+$0x0], $0xffff;
	_ =	sdelay $0x4  }
0x9e: {  	v3 =	vadd.f32 v3, v63;
	_ =	sdelay $0x1  }
0x9f: {  	v4 =	vmul.f32 $9.999999770e-03, v3  }
0xa0: {  	vm15 =	vge.f32 v3, $0.0e+00  }
0xa1: {  	v3 =	vsel vm15, v3, v4  }
0xa2: {  	v3 =	vmul.f32 $1.442695020e+00, v3;
	_ =	sdelay $0x1  }
0xa3: {  	(erf) = vpow2.f32 v3;
	_ =	sdelay $0x7  }
0xa4: {  	p0 =	slt.u32 s20, $0x8;
	s20 =	sadd.s32 $0x1, s20  }
0xa5: {  	p1 =	sne.s32 s20, $0xA0;
	v3 =	vpop (erf)  }
.Ltmp0:
0xa6: {  	s21 =	simm.s32 @!p0 $0x1;
	[tilespmem:s18+$0x70] =	vst v3;
	(pc) =	sbr.rel @p1 .LBB2_2-.Ltmp0, $4  }
0xa7: {  	[spmem:s2] =	stream.indirect.scatter.add.f32 [tilespmem:s18], [sflag:$0x1], $0x1, s19, s14, $0x2000b8;
	[tilespmem:$0xF500] =	vst v63  }
0xa8: {  	_ =	swait.ge @!p0 [sflag:s21], $0x80  }
0xa9: {  	[sflag:s21] =	ssyncset.done @!p0 $0x0  }
0xaa: {  	s18 =	sadd.s32 $0x80, s18;
	s19 =	sadd.s32 $0x80, s19;
	[sflag:s21] =	ssyncadd.s32 @!p0 $0xFFFFFF80  }
0xab: {  	_ =	strace $0x9000004A  }
0xac: {  	_ =	strace $0x8000004B  }
0xad: {  	_ =	swait.ge [sflag:s15], $0x80  }
0xae: {  	[sflag:s15] =	ssyncset.done $0x0  }
0xaf: {  	[sflag:s15] =	ssyncadd.s32 $0xFFFFFF80  }
0xb0: {  	_ =	swait.ge [sflag:s15], $0x80  }
0xb1: {  	[sflag:s15] =	ssyncset.done $0x0  }
0xb2: {  	[sflag:s15] =	ssyncadd.s32 $0xFFFFFF80  }
0xb3: {  	_ =	swait.ge [sflag:s15], $0x80  }
0xb4: {  	[sflag:s15] =	ssyncset.done $0x0  }
0xb5: {  	[sflag:s15] =	ssyncadd.s32 $0xFFFFFF80  }
0xb6: {  	_ =	swait.ge [sflag:s15], $0x80  }
0xb7: {  	[sflag:s15] =	ssyncset.done $0x0  }
0xb8: {  	[sflag:s15] =	ssyncadd.s32 $0xFFFFFF80  }
0xb9: {  	_ =	swait.ge [sflag:s15], $0x80  }
0xba: {  	[sflag:s15] =	ssyncset.done $0x0  }
0xbb: {  	[sflag:s15] =	ssyncadd.s32 $0xFFFFFF80  }
0xbc: {  	_ =	swait.ge [sflag:s15], $0x80  }
0xbd: {  	[sflag:s15] =	ssyncset.done $0x0  }
0xbe: {  	[sflag:s15] =	ssyncadd.s32 $0xFFFFFF80  }
0xbf: {  	_ =	swait.ge [sflag:s15], $0x80  }
0xc0: {  	[sflag:s15] =	ssyncset.done $0x0  }
0xc1: {  	[sflag:s15] =	ssyncadd.s32 $0xFFFFFF80  }
0xc2: {  	_ =	swait.ge [sflag:s15], $0x80  }
0xc3: {  	[sflag:s15] =	ssyncset.done $0x0  }
0xc4: {  	[sflag:s15] =	ssyncadd.s32 $0xFFFFFF80  }
0xc5: {  	[bflag:$0x0] =	sbarrier.arrive $0xFFFF  }
0xc6: {  	_ =	strace $0x9000004B  }
0xc7: {  	_ =	strace $0x8000004C  }
0xc8: {  	[tilespmem:s16], [sflag:$0x2] =	stream.linear.gather [spmem:s2], $0x2800, $0x200038;
	[tilespmem:$0xF500] =	vst v63  }
0xc9: {  	_ =	swait.ge [sflag:s11], $0x2800  }
0xca: {  	[sflag:s11] =	ssyncset.done $0x0  }
0xcb: {  	[sflag:s11] =	ssyncadd.s32 $0xFFFFD800  }
0xcc: {  	_ =	strace $0x9000004C  }
0xcd: {  	s18 =	simm.s32 $0x0;
	_ =	strace $0x8000004D  }
.LBB2_4:
0xce: {  	s19 =	sshra.s32 s18, $0x2  }
0xcf: {  	v3 =	vld.idx.msk [tilespmem:v1+s19+$0xFFFFFFC0 ss:$0x1], $0xffff;
	_ =	sdelay $0x7  }
0xd0: {  	v3 =	vld.idx.msk [tilespmem:v3+s16+$0x0], $0xffff;
	_ =	sdelay $0x4  }
0xd1: {  	v3 =	vmax.f32 v3, $9.999999710e-10  }
0xd2: {  	(erf) = vrcp.f32 v3;
	_ =	sdelay $0x4  }
0xd3: {  	v3 =	vld.idx.msk [tilespmem:v2+s19+$0xFFFFFF90 ss:$0x1], $0xffff;
	_ =	sdelay $0x3  }
0xd4: {  	v4 =	vpop (erf)  }
0xd5: {  	v3 =	vmul.f32 v4, v3;
	_ =	sdelay $0x1  }
0xd6: {  	[tilespmem:v2+s19+$0xFFFFFF90 ss:$0x1] =	vst.idx.msk $0xffff, v3  }
0xd7: {  	v3 =	vld.idx.msk [tilespmem:v1+s19+$0xFFFFFFD0 ss:$0x1], $0xffff;
	_ =	sdelay $0x7  }
0xd8: {  	v3 =	vld.idx.msk [tilespmem:v3+s16+$0x0], $0xffff;
	_ =	sdelay $0x4  }
0xd9: {  	v3 =	vmax.f32 v3, $9.999999710e-10  }
0xda: {  	(erf) = vrcp.f32 v3;
	_ =	sdelay $0x4  }
0xdb: {  	v3 =	vld.idx.msk [tilespmem:v2+s19+$0xFFFFFFA0 ss:$0x1], $0xffff;
	_ =	sdelay $0x3  }
0xdc: {  	v57 =	vpop (erf)  }
0xdd: {  	v3 =	vmul.f32 v57, v3;
	_ =	sdelay $0x1  }
0xde: {  	[tilespmem:v2+s19+$0xFFFFFFA0 ss:$0x1] =	vst.idx.msk $0xffff, v3  }
0xdf: {  	v3 =	vld.idx.msk [tilespmem:v1+s19+$0xFFFFFFE0 ss:$0x1], $0xffff;
	_ =	sdelay $0x7  }
0xe0: {  	v3 =	vld.idx.msk [tilespmem:v3+s16+$0x0], $0xffff;
	_ =	sdelay $0x4  }
0xe1: {  	v3 =	vmax.f32 v3, $9.999999710e-10  }
0xe2: {  	(erf) = vrcp.f32 v3;
	_ =	sdelay $0x4  }
0xe3: {  	v3 =	vld.idx.msk [tilespmem:v2+s19+$0xFFFFFFB0 ss:$0x1], $0xffff;
	_ =	sdelay $0x3  }
0xe4: {  	v58 =	vpop (erf)  }
0xe5: {  	v3 =	vmul.f32 v58, v3;
	_ =	sdelay $0x1  }
0xe6: {  	[tilespmem:v2+s19+$0xFFFFFFB0 ss:$0x1] =	vst.idx.msk $0xffff, v3  }
0xe7: {  	v3 =	vld.idx.msk [tilespmem:v1+s19+$0xFFFFFFF0 ss:$0x1], $0xffff;
	_ =	sdelay $0x7  }
0xe8: {  	v3 =	vld.idx.msk [tilespmem:v3+s16+$0x0], $0xffff;
	_ =	sdelay $0x4  }
0xe9: {  	v3 =	vmax.f32 v3, $9.999999710e-10  }
0xea: {  	(erf) = vrcp.f32 v3;
	_ =	sdelay $0x4  }
0xeb: {  	v3 =	vld.idx.msk [tilespmem:v2+s19+$0xFFFFFFC0 ss:$0x1], $0xffff;
	_ =	sdelay $0x3  }
0xec: {  	v59 =	vpop (erf)  }
0xed: {  	v3 =	vmul.f32 v59, v3;
	_ =	sdelay $0x1  }
0xee: {  	[tilespmem:v2+s19+$0xFFFFFFC0 ss:$0x1] =	vst.idx.msk $0xffff, v3  }
0xef: {  	v3 =	vld.idx.msk [tilespmem:v1+s19+$0x0 ss:$0x1], $0xffff;
	_ =	sdelay $0x7  }
0xf0: {  	v3 =	vld.idx.msk [tilespmem:v3+s16+$0x0], $0xffff;
	_ =	sdelay $0x4  }
0xf1: {  	v3 =	vmax.f32 v3, $9.999999710e-10  }
0xf2: {  	(erf) = vrcp.f32 v3;
	_ =	sdelay $0x4  }
0xf3: {  	v3 =	vld.idx.msk [tilespmem:v2+s19+$0xFFFFFFD0 ss:$0x1], $0xffff;
	_ =	sdelay $0x3  }
0xf4: {  	v60 =	vpop (erf)  }
0xf5: {  	v3 =	vmul.f32 v60, v3;
	_ =	sdelay $0x1  }
0xf6: {  	[tilespmem:v2+s19+$0xFFFFFFD0 ss:$0x1] =	vst.idx.msk $0xffff, v3  }
0xf7: {  	v3 =	vld.idx.msk [tilespmem:v1+s19+$0x10 ss:$0x1], $0xffff;
	_ =	sdelay $0x7  }
0xf8: {  	v3 =	vld.idx.msk [tilespmem:v3+s16+$0x0], $0xffff;
	_ =	sdelay $0x4  }
0xf9: {  	v3 =	vmax.f32 v3, $9.999999710e-10  }
0xfa: {  	(erf) = vrcp.f32 v3;
	_ =	sdelay $0x4  }
0xfb: {  	v3 =	vld.idx.msk [tilespmem:v2+s19+$0xFFFFFFE0 ss:$0x1], $0xffff;
	_ =	sdelay $0x3  }
0xfc: {  	v61 =	vpop (erf)  }
0xfd: {  	v3 =	vmul.f32 v61, v3;
	_ =	sdelay $0x1  }
0xfe: {  	[tilespmem:v2+s19+$0xFFFFFFE0 ss:$0x1] =	vst.idx.msk $0xffff, v3  }
0xff: {  	v3 =	vld.idx.msk [tilespmem:v1+s19+$0x20 ss:$0x1], $0xffff;
	_ =	sdelay $0x7  }
0x100: {  	v3 =	vld.idx.msk [tilespmem:v3+s16+$0x0], $0xffff;
	_ =	sdelay $0x4  }
0x101: {  	v3 =	vmax.f32 v3, $9.999999710e-10  }
0x102: {  	(erf) = vrcp.f32 v3;
	_ =	sdelay $0x4  }
0x103: {  	v3 =	vld.idx.msk [tilespmem:v2+s19+$0xFFFFFFF0 ss:$0x1], $0xffff;
	_ =	sdelay $0x3  }
0x104: {  	v62 =	vpop (erf)  }
0x105: {  	v3 =	vmul.f32 v62, v3;
	_ =	sdelay $0x1  }
0x106: {  	[tilespmem:v2+s19+$0xFFFFFFF0 ss:$0x1] =	vst.idx.msk $0xffff, v3  }
0x107: {  	v3 =	vld.idx.msk [tilespmem:v1+s19+$0x30 ss:$0x1], $0xffff;
	_ =	sdelay $0x7  }
0x108: {  	v3 =	vld.idx.msk [tilespmem:v3+s16+$0x0], $0xffff;
	_ =	sdelay $0x4  }
0x109: {  	v3 =	vmax.f32 v3, $9.999999710e-10  }
0x10a: {  	(erf) = vrcp.f32 v3;
	_ =	sdelay $0x4  }
0x10b: {  	v3 =	vld.idx.msk [tilespmem:v2+s19+$0x0 ss:$0x1], $0xffff;
	_ =	sdelay $0x1  }
0x10c: {  	p0 =	sne.s32 s18, $0x9E00  }
.Ltmp1:
0x10d: {  	_ = 	snop;
	(pc) =	sbr.rel @p0 .LBB2_4-.Ltmp1, $3  }
0x10e: {  	v63 =	vpop (erf)  }
0x10f: {  	v3 =	vmul.f32 v63, v3;
	_ =	sdelay $0x1  }
0x110: {  	s18 =	sadd.s32 $0x200, s18;
	[tilespmem:v2+s19+$0x0 ss:$0x1] =	vst.idx.msk $0xffff, v3  }
0x111: {  	_ =	strace $0x9000004D;
	s17 =	sadd.s32 $0x1, s17  }
0x112: {  	_ =	strace $0x8000004E;
	p0 =	sne.s32 s17, s10  }
0x113: {  	[hbm4b:s9+s3] =	stream.linear.scatter [tilespmem:s8], [sflag:$0x2], $0x2800, $0x200038;
	[tilespmem:$0xF500] =	vst v63  }
.Ltmp2:
0x114: {  	_ = 	snop;
	(pc) =	sbr.rel @p0 .LBB2_1-.Ltmp2, $4  }
0x115: {  	_ =	swait.ge [sflag:s11], $0x2800  }
0x116: {  	[sflag:s11] =	ssyncset.done $0x0  }
0x117: {  	[sflag:s11] =	ssyncadd.s32 $0xFFFFD800  }
0x118: {  	_ =	strace $0x9000004E  }
0x119: {  	_ =	sfence.sel $0x180000  }
0x11a: {  	[bflag:$0x0] =	sbarrier.arrive $0xFFFF  }
0x11b: {  	p0 =	sne.s32 s1, $0x0;
	_ =	strace $0x90000047  }
0x11c: {  	s0 =	sadd.s32 @!p0 $0x100000, s0;
	[bflag:$0x2] =	sbarrier.arrive $0xFFFF  }
0x11d: {  	[sflag:s0] =	ssyncadd.tile.s32 @!p0 $0x1;
	_ =	shalt  }
.Lfunc_end2:
_tile_overlayer_lowered:
.L_overlay_start_2:
0x11e: {  	(tag) =	ssettag $0x2  }
0x11f: {  	s0 =	rddreg [dreg:$0x0];
	s2 =	stileid.u32  }
0x120: {  	s1 =	rddreg [dreg:$0x1];
	p0 =	sne.s32 s2, $0x0  }
0x121: {  	s3 =	rddreg [dreg:$0x2];
	[bflag:$0x3] =	sbarrier.arrive $0xFFFF;
	s2 =	simm.s32 @!p0 $0x1C02  }
0x122: {  	[timem:s3], [sflag:s2] =	dma.local @!p0 [hbm:s0], s1  }
0x123: {  	s0 =	simm.s32 @!p0 $0x2  }
0x124: {  	_ =	swait.ge @!p0 [sflag:s0], s1  }
0x125: {  	s1 =	ssub.s32 @!p0 $0x0, s1;
	[sflag:s0] =	ssyncset.done @!p0 $0x0  }
0x126: {  	[sflag:s0] =	ssyncadd.s32 @!p0 s1  }
0x127: {  	[bflag:$0x3] =	sbarrier.arrive $0xFFFF  }
0x128: {  	_ =	shalt  }

</sc_bundles>
